<compile_context>
chip_gen: v7x
topology: tpu7x:2x2x1
jax: 0.10.2.dev20260603
libtpu: 0.0.44.dev20260713+nightly
codegen_flags: <defaults>
</compile_context>

<pallas_src>
import dataclasses
import functools

import jax
import jax.numpy as jnp
from jax import lax
from jax.experimental import pallas as pl
from jax.experimental.pallas import tpu as pltpu
from jax.experimental.pallas import tpu_sc as plsc

_NC = 2
_NS = 16
_NW = _NC * _NS
_LANES = 16
_CHUNK = 128
_ZROWS = 64

_MESH = plsc.VectorSubcoreMesh(core_axis_name="c", subcore_axis_name="s")
_CP_NO_LAYOUT = dataclasses.replace(
    pltpu.CompilerParams(), needs_layout_passes=False)


def _sc_degree(col3, n_pad, cpt):

    @functools.partial(
        pl.kernel,
        out_type=jax.ShapeDtypeStruct((_NW, n_pad), jnp.float32),
        mesh=_MESH,
        compiler_params=_CP_NO_LAYOUT,
        scratch_types=[
            pltpu.VMEM((cpt, _CHUNK), jnp.int32),
            pltpu.VMEM((n_pad,), jnp.float32),
        ],
    )
    def deg_kernel(col_hbm, out_hbm, idx_v, hist_v):
        c = lax.axis_index("c")
        s = lax.axis_index("s")
        wid = c * _NS + s
        pltpu.sync_copy(col_hbm.at[wid], idx_v)

        @pl.loop(0, n_pad, step=_LANES)
        def _(i):
            hist_v[pl.ds(i, _LANES)] = jnp.zeros((_LANES,), jnp.float32)

        ones = jnp.ones((_LANES,), jnp.float32)

        @pl.loop(0, cpt)
        def _(j):
            @pl.loop(0, _CHUNK, step=_LANES)
            def _(q):
                iv = idx_v[j, pl.ds(q, _LANES)]
                plsc.addupdate_scatter(hist_v, [iv], ones)

        pltpu.sync_copy(hist_v, out_hbm.at[wid])

    return deg_kernel(col3)


_NBUF = 2
_SB = 16


def _sc_scatter(y, row3, col3, n_pad, cpt, d):
    rpt = n_pad // _NS
    assert cpt % _SB == 0 and _SB % _NBUF == 0

    @functools.partial(
        pl.kernel,
        out_type=jax.ShapeDtypeStruct((_NC, n_pad, d), jnp.float32),
        mesh=_MESH,
        scratch_types=[
            pltpu.VMEM((_SB, _CHUNK), jnp.int32),
            pltpu.VMEM((_SB, _CHUNK), jnp.int32),
            [pltpu.VMEM((_CHUNK, d), jnp.float32) for _ in range(_NBUF)],
            [pltpu.SemaphoreType.DMA for _ in range(_NBUF)],
            [pltpu.SemaphoreType.DMA for _ in range(_NBUF)],
            pltpu.VMEM((_LANES, d), jnp.float32),
            pltpu.VMEM_SHARED((n_pad, d), jnp.float32),
        ],
    )
    def scat_kernel(y_hbm, row_hbm, col_hbm, out_hbm,
                    ridx, cidx, msgs, sems, ssems, zbuf, acc_sh):
        c = lax.axis_index("c")
        s = lax.axis_index("s")
        wid = c * _NS + s

        @pl.loop(0, _LANES)
        def _(i):
            @pl.loop(0, d, step=_LANES)
            def _(q):
                zbuf[i, pl.ds(q, _LANES)] = jnp.zeros((_LANES,), jnp.float32)

        @pl.loop(0, rpt, step=_LANES)
        def _(r):
            pltpu.sync_copy(zbuf, acc_sh.at[pl.ds(s * rpt + r, _LANES)])

        plsc.subcore_barrier()

        @pl.loop(0, cpt, step=_SB)
        def _(jb):
            pltpu.sync_copy(row_hbm.at[wid, pl.ds(jb, _SB)], ridx)
            pltpu.sync_copy(col_hbm.at[wid, pl.ds(jb, _SB)], cidx)
            for b in range(_NBUF):
                pltpu.async_copy(y_hbm.at[ridx.at[b]], msgs[b], sems[b])

            @pl.loop(0, _SB, step=_NBUF)
            def _(q):
                for b in range(_NBUF):
                    pltpu.make_async_copy(
                        y_hbm.at[ridx.at[q + b]], msgs[b], sems[b]).wait()
                    pltpu.async_copy(msgs[b], acc_sh.at[cidx.at[q + b]],
                                     ssems[b], add=True)

                    @pl.when(q + b + _NBUF < _SB)
                    def _():
                        pltpu.make_async_copy(
                            msgs[b], acc_sh.at[cidx.at[q + b]],
                            ssems[b]).wait()
                        pltpu.async_copy(
                            y_hbm.at[ridx.at[q + b + _NBUF]], msgs[b], sems[b])

            for b in range(_NBUF):
                pltpu.make_async_copy(
                    msgs[b], acc_sh.at[cidx.at[_SB - _NBUF + b]],
                    ssems[b]).wait()

        plsc.subcore_barrier()
        pltpu.sync_copy(acc_sh.at[pl.ds(s * rpt, rpt)],
                        out_hbm.at[c, pl.ds(s * rpt, rpt)])

    return scat_kernel(y, row3, col3)


_BLK = 1024


def _tc_matmul(x, w):
    n, d = x.shape
    blk = _BLK

    def body(x_ref, w_ref, o_ref):
        o_ref[...] = jnp.dot(x_ref[...], w_ref[...],
                             preferred_element_type=jnp.float32)

    return pl.pallas_call(
        body,
        grid=(n // blk,),
        in_specs=[pl.BlockSpec((blk, d), lambda i: (i, 0)),
                  pl.BlockSpec((d, d), lambda i: (0, 0))],
        out_specs=pl.BlockSpec((blk, d), lambda i: (i, 0)),
        out_shape=jax.ShapeDtypeStruct((n, d), jnp.float32),
    )(x, w)


def _tc_scale(xw, degp):
    n, d = xw.shape
    blk = _BLK

    def body(x_ref, dp_ref, o_ref):
        deg = jnp.sum(dp_ref[...], axis=0) + 1.0
        dis = lax.rsqrt(deg)[:, None]
        o_ref[...] = x_ref[...] * dis

    return pl.pallas_call(
        body,
        grid=(n // blk,),
        in_specs=[pl.BlockSpec((blk, d), lambda i: (i, 0)),
                  pl.BlockSpec((_NW, blk), lambda i: (0, i))],
        out_specs=pl.BlockSpec((blk, d), lambda i: (i, 0)),
        out_shape=jax.ShapeDtypeStruct((n, d), jnp.float32),
    )(xw, degp)


def _tc_finalize(accp, y, degp, b, bn_weight, bn_bias, bn_mean, bn_var):
    n, d = y.shape
    blk = _BLK
    p2 = lambda a: a.reshape(1, d)

    def body(a_ref, y_ref, dp_ref, b_ref, w_ref, bb_ref, m_ref, v_ref, o_ref):
        deg = jnp.sum(dp_ref[...], axis=0) + 1.0
        dis = lax.rsqrt(deg)[:, None]
        t = (a_ref[0] + a_ref[1] + y_ref[...]) * dis + b_ref[...]
        t = jnp.maximum(t, 0.0)
        scale = w_ref[...] * lax.rsqrt(v_ref[...] + 1e-5)
        o_ref[...] = (t - m_ref[...]) * scale + bb_ref[...]

    vspec = pl.BlockSpec((1, d), lambda i: (0, 0))
    return pl.pallas_call(
        body,
        grid=(n // blk,),
        in_specs=[pl.BlockSpec((_NC, blk, d), lambda i: (0, i, 0)),
                  pl.BlockSpec((blk, d), lambda i: (i, 0)),
                  pl.BlockSpec((_NW, blk), lambda i: (0, i)),
                  vspec, vspec, vspec, vspec, vspec],
        out_specs=pl.BlockSpec((blk, d), lambda i: (i, 0)),
        out_shape=jax.ShapeDtypeStruct((n, d), jnp.float32),
    )(accp, y, degp, p2(b), p2(bn_weight), p2(bn_bias), p2(bn_mean),
      p2(bn_var))


def kernel(node_features, edge_indices, W, b, bn_weight, bn_bias, bn_mean,
           bn_var):
    n, d = node_features.shape
    e = edge_indices.shape[1]

    rpt = -(-n // _NS)
    rpt += (-rpt) % _ZROWS
    n_pad = _NS * rpt

    cpt = -(-e // (_NW * _CHUNK))
    cpt += (-cpt) % _SB
    e_pad = _NW * _CHUNK * cpt
    pad = e_pad - e

    row = edge_indices[0].astype(jnp.int32)
    col = edge_indices[1].astype(jnp.int32)
    row_p = jnp.concatenate([row, jnp.zeros((pad,), jnp.int32)])
    pad_cols = n + (jnp.arange(pad, dtype=jnp.int32) % (n_pad - n))
    col_p = jnp.concatenate([col, pad_cols])
    row3 = row_p.reshape(_NW, cpt, _CHUNK)
    col3 = col_p.reshape(_NW, cpt, _CHUNK)

    x_pad = jnp.pad(node_features, ((0, n_pad - n), (0, 0)))

    degp = _sc_degree(col3, n_pad, cpt)
    xw = _tc_matmul(x_pad, W)
    y = _tc_scale(xw, degp)
    accp = _sc_scatter(y, row3, col3, n_pad, cpt, d)
    h = _tc_finalize(accp, y, degp, b, bn_weight, bn_bias, bn_mean, bn_var)
    return h[:n]

# --- scband reference (transcript-rebuilt; emitter-appended) ---
"""Pipeline reference for scband-normalized-regularized-gcnlayer-72301479461276 (READ-ONLY COPY).

The authoritative reference and input builder live on the scoring server;
editing this copy changes nothing except your own understanding.
"""

import jax, jax.numpy as jnp
import numpy as np

N_NODES = 10000
N_EDGES = 320000
D_IN = 128
D_OUT = 128


def setup_inputs(seed: int = 0) -> dict:
    key = jax.random.key(seed)
    k1, k2, k3 = jax.random.split(key, 3)
    node_features = jax.random.normal(k1, (N_NODES, D_IN), dtype=jnp.float32)
    edge_indices = jax.random.randint(k2, (2, N_EDGES), 0, N_NODES, dtype=jnp.int64)
    # GCNConv linear weight (glorot-ish scale), bias, and BatchNorm1d params/buffers
    W = jax.random.normal(k3, (D_IN, D_OUT), dtype=jnp.float32) * (1.0 / np.sqrt(D_IN))
    b = jnp.zeros((D_OUT,), dtype=jnp.float32)
    bn_weight = jnp.ones((D_OUT,), dtype=jnp.float32)
    bn_bias = jnp.zeros((D_OUT,), dtype=jnp.float32)
    bn_mean = jnp.zeros((D_OUT,), dtype=jnp.float32)
    bn_var = jnp.ones((D_OUT,), dtype=jnp.float32)
    return {
        "node_features": node_features,
        "edge_indices": edge_indices,
        "W": W,
        "b": b,
        "bn_weight": bn_weight,
        "bn_bias": bn_bias,
        "bn_mean": bn_mean,
        "bn_var": bn_var,
    }


def reference(node_features, edge_indices, W, b, bn_weight, bn_bias, bn_mean, bn_var):
    N = node_features.shape[0]
    row = edge_indices[0]
    col = edge_indices[1]
    # --- GCNConv (improved=False => self-loop fill value 1.0), symmetric norm ---
    loop = jnp.arange(N, dtype=row.dtype)
    row = jnp.concatenate([row, loop])
    col = jnp.concatenate([col, loop])
    ew = jnp.ones((row.shape[0],), dtype=jnp.float32)
    deg = jnp.zeros((N,), dtype=jnp.float32).at[col].add(ew)
    deg_inv_sqrt = jnp.where(deg > 0, 1.0 / jnp.sqrt(deg), 0.0)
    norm = deg_inv_sqrt[row] * ew * deg_inv_sqrt[col]
    xw = node_features @ W
    msg = xw[row] * norm[:, None]
    out = jnp.zeros((N, W.shape[1]), dtype=jnp.float32).at[col].add(msg)
    out = out + b
    # --- ReLU ---
    h = jax.nn.relu(out)
    # --- BatchNorm1d (eval mode: running stats) ---
    h = (h - bn_mean) / jnp.sqrt(bn_var + 1e-5) * bn_weight + bn_bias
    # --- Dropout (eval mode: identity) ---
    return h

if __name__ == "__main__":
    import jax
    _d = setup_inputs()
    print(jax.jit(kernel)(*tuple(_d.values())))

</pallas_src>

<mosaic_0001>
#map = affine_map<(d0, d1) -> (0, 0, 0)>
#map1 = affine_map<(d0, d1) -> (0, 0)>
module attributes {stable_mosaic.version = 14 : i64} {
  func.func @deg_kernel(%arg0: i32, %arg1: i32, %arg2: memref<32x80x128xi32, #tpu.memory_space<hbm>>, %arg3: memref<32x10240xf32, #tpu.memory_space<hbm>>, %arg4: memref<80x128xi32, #tpu.memory_space<vmem>>, %arg5: memref<10240xf32, #tpu.memory_space<vmem>>) attributes {dimension_semantics = [#tpu.dimension_semantics<core_parallel>, #tpu.dimension_semantics<subcore_parallel>], iteration_bounds = array<i64: 2, 16>, scalar_prefetch = 0 : i64, scratch_operands = 2 : i64, tpu.core_type = #tpu.core_type<sc_vector_subcore>, window_params = [{transform_indices = #map}, {transform_indices = #map1}]} {
    %mul3A = arith.constant 16 : i32
    %mul3A_0 = arith.muli %arg0, %mul3A : i32
    %add3A = arith.addi %mul3A_0, %arg1 : i32
    "tpu.region"() ({
      %run_scoped3A = tpu.sem_alloc : memref<!tpu.dma_semaphore, #tpu.memory_space<semaphore_mem>>
      %dma_start3A = arith.constant 0 : i32
      %dma_start3A_11 = arith.constant 0 : i32
      %dma_start3A_12 = tpu.memref_slice %arg2[%add3A, %dma_start3A, %dma_start3A_11] : memref<32x80x128xi32, #tpu.memory_space<hbm>> -> memref<1x80x128xi32, #tpu.memory_space<hbm>>
      %dma_start3A_13 = tpu.memref_squeeze %dma_start3A_12 : memref<1x80x128xi32, #tpu.memory_space<hbm>> -> memref<80x128xi32, #tpu.memory_space<hbm>>
      %dma_start3A_14 = arith.constant 0 : i32
      %dma_start3A_15 = arith.constant 0 : i32
      %dma_start3A_16 = tpu.memref_slice %arg2[%add3A, %dma_start3A_14, %dma_start3A_15] : memref<32x80x128xi32, #tpu.memory_space<hbm>> -> memref<1x80x128xi32, #tpu.memory_space<hbm>>
      %dma_start3A_17 = tpu.memref_squeeze %dma_start3A_16 : memref<1x80x128xi32, #tpu.memory_space<hbm>> -> memref<80x128xi32, #tpu.memory_space<hbm>>
      tpu.enqueue_dma source(%dma_start3A_17 : memref<80x128xi32, #tpu.memory_space<hbm>>) target(%arg4 : memref<80x128xi32, #tpu.memory_space<vmem>>) target_semaphore(%run_scoped3A : memref<!tpu.dma_semaphore, #tpu.memory_space<semaphore_mem>>)
      %dma_wait3A = arith.constant 0 : i32
      %dma_wait3A_18 = arith.constant 0 : i32
      %dma_wait3A_19 = tpu.memref_slice %arg2[%add3A, %dma_wait3A, %dma_wait3A_18] : memref<32x80x128xi32, #tpu.memory_space<hbm>> -> memref<1x80x128xi32, #tpu.memory_space<hbm>>
      %dma_wait3A_20 = tpu.memref_squeeze %dma_wait3A_19 : memref<1x80x128xi32, #tpu.memory_space<hbm>> -> memref<80x128xi32, #tpu.memory_space<hbm>>
      %dma_wait3A_21 = arith.constant 0 : i32
      %dma_wait3A_22 = arith.constant 0 : i32
      %dma_wait3A_23 = tpu.memref_slice %arg2[%add3A, %dma_wait3A_21, %dma_wait3A_22] : memref<32x80x128xi32, #tpu.memory_space<hbm>> -> memref<1x80x128xi32, #tpu.memory_space<hbm>>
      %dma_wait3A_24 = tpu.memref_squeeze %dma_wait3A_23 : memref<1x80x128xi32, #tpu.memory_space<hbm>> -> memref<80x128xi32, #tpu.memory_space<hbm>>
      tpu.wait_dma2 semaphore(%run_scoped3A : memref<!tpu.dma_semaphore, #tpu.memory_space<semaphore_mem>>) src(%dma_wait3A_24 : memref<80x128xi32, #tpu.memory_space<hbm>>) dst(%arg4 : memref<80x128xi32, #tpu.memory_space<vmem>>)
      tpu.yield
    }) : () -> ()
    %scan3A = arith.constant 0 : i32
    %scan3A_1 = arith.constant 640 : i32
    %scan3A_2 = arith.addi %scan3A, %scan3A_1 : i32
    %scan3A_3 = arith.constant 1 : i32
    scf.for %scan3A_11 = %scan3A to %scan3A_2 step %scan3A_3  : i32 {
      %mul3A_12 = arith.constant 16 : i32
      %mul3A_13 = arith.muli %scan3A_11, %mul3A_12 : i32
      %add3A_14 = arith.constant 0 : i32
      %add3A_15 = arith.addi %add3A_14, %mul3A_13 : i32
      %broadcast_in_dim3A_16 = arith.constant 0.000000e+00 : f32
      %broadcast_in_dim3A_17 = vector.broadcast %broadcast_in_dim3A_16 : f32 to vector<16xf32>
      %swap3A = arith.index_cast %add3A_15 : i32 to index
      %swap3A_18 = tpu.vector_load %arg5[%swap3A] {strides = array<i32>} : memref<10240xf32, #tpu.memory_space<vmem>>, vector<16xf32>,
      tpu.vector_store %arg5[%swap3A], %broadcast_in_dim3A_17 {strides = array<i32>} : memref<10240xf32, #tpu.memory_space<vmem>>, vector<16xf32>,
    }
    %scan3A_4 = arith.constant 640 : i32
    %broadcast_in_dim3A = arith.constant 1.000000e+00 : f32
    %broadcast_in_dim3A_5 = vector.broadcast %broadcast_in_dim3A : f32 to vector<16xf32>
    %scan3A_6 = arith.constant 0 : i32
    %scan3A_7 = arith.constant 80 : i32
    %scan3A_8 = arith.addi %scan3A_6, %scan3A_7 : i32
    %scan3A_9 = arith.constant 1 : i32
    scf.for %scan3A_11 = %scan3A_6 to %scan3A_8 step %scan3A_9  : i32 {
      %mul3A_12 = arith.constant 1 : i32
      %mul3A_13 = arith.muli %scan3A_11, %mul3A_12 : i32
      %add3A_14 = arith.constant 0 : i32
      %add3A_15 = arith.addi %add3A_14, %mul3A_13 : i32
      %scan3A_16 = arith.constant 0 : i32
      %scan3A_17 = arith.constant 8 : i32
      %scan3A_18 = arith.addi %scan3A_16, %scan3A_17 : i32
      %scan3A_19 = arith.constant 1 : i32
      scf.for %scan3A_21 = %scan3A_16 to %scan3A_18 step %scan3A_19  : i32 {
        %mul3A_22 = arith.constant 16 : i32
        %mul3A_23 = arith.muli %scan3A_21, %mul3A_22 : i32
        %add3A_24 = arith.constant 0 : i32
        %add3A_25 = arith.addi %add3A_24, %mul3A_23 : i32
        %get3A = arith.index_cast %add3A_15 : i32 to index
        %get3A_26 = arith.index_cast %add3A_25 : i32 to index
        %get3A_27 = tpu.vector_load %arg4[%get3A, %get3A_26] {strides = array<i32>} : memref<80x128xi32, #tpu.memory_space<vmem>>, vector<16xi32>,
        tpu.vector_store_idx %arg5[%get3A_27], %broadcast_in_dim3A_5 {add = true} : memref<10240xf32, #tpu.memory_space<vmem>>[vector<16xi32>], vector<16xf32>,
      }
      %scan3A_20 = arith.constant 8 : i32
    }
    %scan3A_10 = arith.constant 80 : i32
    "tpu.region"() ({
      %run_scoped3A = tpu.sem_alloc : memref<!tpu.dma_semaphore, #tpu.memory_space<semaphore_mem>>
      %dma_start3A = arith.constant 0 : i32
      %dma_start3A_11 = tpu.memref_slice %arg3[%add3A, %dma_start3A] : memref<32x10240xf32, #tpu.memory_space<hbm>> -> memref<1x10240xf32, #tpu.memory_space<hbm>>
      %dma_start3A_12 = tpu.memref_squeeze %dma_start3A_11 : memref<1x10240xf32, #tpu.memory_space<hbm>> -> memref<10240xf32, #tpu.memory_space<hbm>>
      %dma_start3A_13 = arith.constant 0 : i32
      %dma_start3A_14 = tpu.memref_slice %arg3[%add3A, %dma_start3A_13] : memref<32x10240xf32, #tpu.memory_space<hbm>> -> memref<1x10240xf32, #tpu.memory_space<hbm>>
      %dma_start3A_15 = tpu.memref_squeeze %dma_start3A_14 : memref<1x10240xf32, #tpu.memory_space<hbm>> -> memref<10240xf32, #tpu.memory_space<hbm>>
      tpu.enqueue_dma source(%arg5 : memref<10240xf32, #tpu.memory_space<vmem>>) target(%dma_start3A_15 : memref<10240xf32, #tpu.memory_space<hbm>>) target_semaphore(%run_scoped3A : memref<!tpu.dma_semaphore, #tpu.memory_space<semaphore_mem>>)
      %dma_wait3A = arith.constant 0 : i32
      %dma_wait3A_16 = tpu.memref_slice %arg3[%add3A, %dma_wait3A] : memref<32x10240xf32, #tpu.memory_space<hbm>> -> memref<1x10240xf32, #tpu.memory_space<hbm>>
      %dma_wait3A_17 = tpu.memref_squeeze %dma_wait3A_16 : memref<1x10240xf32, #tpu.memory_space<hbm>> -> memref<10240xf32, #tpu.memory_space<hbm>>
      %dma_wait3A_18 = arith.constant 0 : i32
      %dma_wait3A_19 = tpu.memref_slice %arg3[%add3A, %dma_wait3A_18] : memref<32x10240xf32, #tpu.memory_space<hbm>> -> memref<1x10240xf32, #tpu.memory_space<hbm>>
      %dma_wait3A_20 = tpu.memref_squeeze %dma_wait3A_19 : memref<1x10240xf32, #tpu.memory_space<hbm>> -> memref<10240xf32, #tpu.memory_space<hbm>>
      tpu.wait_dma2 semaphore(%run_scoped3A : memref<!tpu.dma_semaphore, #tpu.memory_space<semaphore_mem>>) src(%arg5 : memref<10240xf32, #tpu.memory_space<vmem>>) dst(%dma_wait3A_20 : memref<10240xf32, #tpu.memory_space<hbm>>)
      tpu.yield
    }) : () -> ()
    return
  }
}

#map = affine_map<(d0, d1) -> (0, 0)>
#map1 = affine_map<(d0, d1) -> (0, 0, 0)>
module attributes {stable_mosaic.version = 14 : i64} {
  func.func @scat_kernel(%arg0: i32, %arg1: i32, %arg2: memref<10240x128xf32, #tpu.memory_space<hbm>>, %arg3: memref<32x80x128xi32, #tpu.memory_space<hbm>>, %arg4: memref<32x80x128xi32, #tpu.memory_space<hbm>>, %arg5: memref<2x10240x128xf32, #tpu.memory_space<hbm>>, %arg6: memref<16x128xi32, #tpu.memory_space<vmem>>, %arg7: memref<16x128xi32, #tpu.memory_space<vmem>>, %arg8: memref<128x128xf32, #tpu.memory_space<vmem>>, %arg9: memref<128x128xf32, #tpu.memory_space<vmem>>, %arg10: memref<!tpu.dma_semaphore, #tpu.memory_space<semaphore_mem>>, %arg11: memref<!tpu.dma_semaphore, #tpu.memory_space<semaphore_mem>>, %arg12: memref<!tpu.dma_semaphore, #tpu.memory_space<semaphore_mem>>, %arg13: memref<!tpu.dma_semaphore, #tpu.memory_space<semaphore_mem>>, %arg14: memref<16x128xf32, #tpu.memory_space<vmem>>, %arg15: memref<10240x128xf32, #tpu.memory_space<vmem_shared>>) attributes {dimension_semantics = [#tpu.dimension_semantics<core_parallel>, #tpu.dimension_semantics<subcore_parallel>], iteration_bounds = array<i64: 2, 16>, scalar_prefetch = 0 : i64, scratch_operands = 10 : i64, tpu.core_type = #tpu.core_type<sc_vector_subcore>, window_params = [{transform_indices = #map}, {transform_indices = #map1}, {transform_indices = #map1}, {transform_indices = #map1}]} {
    %mul3A = arith.constant 16 : i32
    %mul3A_0 = arith.muli %arg0, %mul3A : i32
    %add3A = arith.addi %mul3A_0, %arg1 : i32
    %scan3A = arith.constant 0 : i32
    %scan3A_1 = arith.constant 16 : i32
    %scan3A_2 = arith.addi %scan3A, %scan3A_1 : i32
    %scan3A_3 = arith.constant 1 : i32
    scf.for %scan3A_20 = %scan3A to %scan3A_2 step %scan3A_3  : i32 {
      %mul3A_21 = arith.constant 1 : i32
      %mul3A_22 = arith.muli %scan3A_20, %mul3A_21 : i32
      %add3A_23 = arith.constant 0 : i32
      %add3A_24 = arith.addi %add3A_23, %mul3A_22 : i32
      %scan3A_25 = arith.constant 0 : i32
      %scan3A_26 = arith.constant 8 : i32
      %scan3A_27 = arith.addi %scan3A_25, %scan3A_26 : i32
      %scan3A_28 = arith.constant 1 : i32
      scf.for %scan3A_30 = %scan3A_25 to %scan3A_27 step %scan3A_28  : i32 {
        %mul3A_31 = arith.constant 16 : i32
        %mul3A_32 = arith.muli %scan3A_30, %mul3A_31 : i32
        %add3A_33 = arith.constant 0 : i32
        %add3A_34 = arith.addi %add3A_33, %mul3A_32 : i32
        %broadcast_in_dim3A = arith.constant 0.000000e+00 : f32
        %broadcast_in_dim3A_35 = vector.broadcast %broadcast_in_dim3A : f32 to vector<16xf32>
        %swap3A = arith.index_cast %add3A_24 : i32 to index
        %swap3A_36 = arith.index_cast %add3A_34 : i32 to index
        %swap3A_37 = tpu.vector_load %arg14[%swap3A, %swap3A_36] {strides = array<i32>} : memref<16x128xf32, #tpu.memory_space<vmem>>, vector<1x16xf32>,
        %swap3A_38 = vector.shape_cast %swap3A_37 : vector<1x16xf32> to vector<16xf32>
        %swap3A_39 = vector.shape_cast %broadcast_in_dim3A_35 : vector<16xf32> to vector<1x16xf32>
        tpu.vector_store %arg14[%swap3A, %swap3A_36], %swap3A_39 {strides = array<i32>} : memref<16x128xf32, #tpu.memory_space<vmem>>, vector<1x16xf32>,
      }
      %scan3A_29 = arith.constant 8 : i32
    }
    %scan3A_4 = arith.constant 16 : i32
    %scan3A_5 = arith.constant 0 : i32
    %scan3A_6 = arith.constant 40 : i32
    %scan3A_7 = arith.addi %scan3A_5, %scan3A_6 : i32
    %scan3A_8 = arith.constant 1 : i32
    scf.for %scan3A_20 = %scan3A_5 to %scan3A_7 step %scan3A_8  : i32 {
      %mul3A_21 = arith.constant 16 : i32
      %mul3A_22 = arith.muli %scan3A_20, %mul3A_21 : i32
      %add3A_23 = arith.constant 0 : i32
      %add3A_24 = arith.addi %add3A_23, %mul3A_22 : i32
      %mul3A_25 = arith.constant 640 : i32
      %mul3A_26 = arith.muli %arg1, %mul3A_25 : i32
      %add3A_27 = arith.addi %mul3A_26, %add3A_24 : i32
      "tpu.region"() ({
        %run_scoped3A = tpu.sem_alloc : memref<!tpu.dma_semaphore, #tpu.memory_space<semaphore_mem>>
        %dma_start3A = arith.constant 0 : i32
        %dma_start3A_28 = tpu.memref_slice %arg15[%add3A_27, %dma_start3A] : memref<10240x128xf32, #tpu.memory_space<vmem_shared>> -> memref<16x128xf32, #tpu.memory_space<vmem_shared>>
        %dma_start3A_29 = arith.constant 0 : i32
        %dma_start3A_30 = tpu.memref_slice %arg15[%add3A_27, %dma_start3A_29] : memref<10240x128xf32, #tpu.memory_space<vmem_shared>> -> memref<16x128xf32, #tpu.memory_space<vmem_shared>>
        tpu.enqueue_dma source(%arg14 : memref<16x128xf32, #tpu.memory_space<vmem>>) target(%dma_start3A_30 : memref<16x128xf32, #tpu.memory_space<vmem_shared>>) target_semaphore(%run_scoped3A : memref<!tpu.dma_semaphore, #tpu.memory_space<semaphore_mem>>)
        %dma_wait3A = arith.constant 0 : i32
        %dma_wait3A_31 = tpu.memref_slice %arg15[%add3A_27, %dma_wait3A] : memref<10240x128xf32, #tpu.memory_space<vmem_shared>> -> memref<16x128xf32, #tpu.memory_space<vmem_shared>>
        %dma_wait3A_32 = arith.constant 0 : i32
        %dma_wait3A_33 = tpu.memref_slice %arg15[%add3A_27, %dma_wait3A_32] : memref<10240x128xf32, #tpu.memory_space<vmem_shared>> -> memref<16x128xf32, #tpu.memory_space<vmem_shared>>
        tpu.wait_dma2 semaphore(%run_scoped3A : memref<!tpu.dma_semaphore, #tpu.memory_space<semaphore_mem>>) src(%arg14 : memref<16x128xf32, #tpu.memory_space<vmem>>) dst(%dma_wait3A_33 : memref<16x128xf32, #tpu.memory_space<vmem_shared>>)
        tpu.yield
      }) : () -> ()
    }
    %scan3A_9 = arith.constant 40 : i32
    %barrier3A = arith.constant 0 : index
    tpu.barrier barrier_id(%barrier3A)
    %scan3A_10 = arith.constant 0 : i32
    %scan3A_11 = arith.constant 5 : i32
    %scan3A_12 = arith.addi %scan3A_10, %scan3A_11 : i32
    %scan3A_13 = arith.constant 1 : i32
    scf.for %scan3A_20 = %scan3A_10 to %scan3A_12 step %scan3A_13  : i32 {
      %mul3A_21 = arith.constant 16 : i32
      %mul3A_22 = arith.muli %scan3A_20, %mul3A_21 : i32
      %add3A_23 = arith.constant 0 : i32
      %add3A_24 = arith.addi %add3A_23, %mul3A_22 : i32
      "tpu.region"() ({
        %run_scoped3A = tpu.sem_alloc : memref<!tpu.dma_semaphore, #tpu.memory_space<semaphore_mem>>
        %dma_start3A_56 = arith.constant 0 : i32
        %dma_start3A_57 = tpu.memref_slice %arg3[%add3A, %add3A_24, %dma_start3A_56] : memref<32x80x128xi32, #tpu.memory_space<hbm>> -> memref<1x16x128xi32, #tpu.memory_space<hbm>>
        %dma_start3A_58 = tpu.memref_squeeze %dma_start3A_57 : memref<1x16x128xi32, #tpu.memory_space<hbm>> -> memref<16x128xi32, #tpu.memory_space<hbm>>
        %dma_start3A_59 = arith.constant 0 : i32
        %dma_start3A_60 = tpu.memref_slice %arg3[%add3A, %add3A_24, %dma_start3A_59] : memref<32x80x128xi32, #tpu.memory_space<hbm>> -> memref<1x16x128xi32, #tpu.memory_space<hbm>>
        %dma_start3A_61 = tpu.memref_squeeze %dma_start3A_60 : memref<1x16x128xi32, #tpu.memory_space<hbm>> -> memref<16x128xi32, #tpu.memory_space<hbm>>
        tpu.enqueue_dma source(%dma_start3A_61 : memref<16x128xi32, #tpu.memory_space<hbm>>) target(%arg6 : memref<16x128xi32, #tpu.memory_space<vmem>>) target_semaphore(%run_scoped3A : memref<!tpu.dma_semaphore, #tpu.memory_space<semaphore_mem>>)
        %dma_wait3A_62 = arith.constant 0 : i32
        %dma_wait3A_63 = tpu.memref_slice %arg3[%add3A, %add3A_24, %dma_wait3A_62] : memref<32x80x128xi32, #tpu.memory_space<hbm>> -> memref<1x16x128xi32, #tpu.memory_space<hbm>>
        %dma_wait3A_64 = tpu.memref_squeeze %dma_wait3A_63 : memref<1x16x128xi32, #tpu.memory_space<hbm>> -> memref<16x128xi32, #tpu.memory_space<hbm>>
        %dma_wait3A_65 = arith.constant 0 : i32
        %dma_wait3A_66 = tpu.memref_slice %arg3[%add3A, %add3A_24, %dma_wait3A_65] : memref<32x80x128xi32, #tpu.memory_space<hbm>> -> memref<1x16x128xi32, #tpu.memory_space<hbm>>
        %dma_wait3A_67 = tpu.memref_squeeze %dma_wait3A_66 : memref<1x16x128xi32, #tpu.memory_space<hbm>> -> memref<16x128xi32, #tpu.memory_space<hbm>>
        tpu.wait_dma2 semaphore(%run_scoped3A : memref<!tpu.dma_semaphore, #tpu.memory_space<semaphore_mem>>) src(%dma_wait3A_67 : memref<16x128xi32, #tpu.memory_space<hbm>>) dst(%arg6 : memref<16x128xi32, #tpu.memory_space<vmem>>)
        tpu.yield
      }) : () -> ()
      "tpu.region"() ({
        %run_scoped3A = tpu.sem_alloc : memref<!tpu.dma_semaphore, #tpu.memory_space<semaphore_mem>>
        %dma_start3A_56 = arith.constant 0 : i32
        %dma_start3A_57 = tpu.memref_slice %arg4[%add3A, %add3A_24, %dma_start3A_56] : memref<32x80x128xi32, #tpu.memory_space<hbm>> -> memref<1x16x128xi32, #tpu.memory_space<hbm>>
        %dma_start3A_58 = tpu.memref_squeeze %dma_start3A_57 : memref<1x16x128xi32, #tpu.memory_space<hbm>> -> memref<16x128xi32, #tpu.memory_space<hbm>>
        %dma_start3A_59 = arith.constant 0 : i32
        %dma_start3A_60 = tpu.memref_slice %arg4[%add3A, %add3A_24, %dma_start3A_59] : memref<32x80x128xi32, #tpu.memory_space<hbm>> -> memref<1x16x128xi32, #tpu.memory_space<hbm>>
        %dma_start3A_61 = tpu.memref_squeeze %dma_start3A_60 : memref<1x16x128xi32, #tpu.memory_space<hbm>> -> memref<16x128xi32, #tpu.memory_space<hbm>>
        tpu.enqueue_dma source(%dma_start3A_61 : memref<16x128xi32, #tpu.memory_space<hbm>>) target(%arg7 : memref<16x128xi32, #tpu.memory_space<vmem>>) target_semaphore(%run_scoped3A : memref<!tpu.dma_semaphore, #tpu.memory_space<semaphore_mem>>)
        %dma_wait3A_62 = arith.constant 0 : i32
        %dma_wait3A_63 = tpu.memref_slice %arg4[%add3A, %add3A_24, %dma_wait3A_62] : memref<32x80x128xi32, #tpu.memory_space<hbm>> -> memref<1x16x128xi32, #tpu.memory_space<hbm>>
        %dma_wait3A_64 = tpu.memref_squeeze %dma_wait3A_63 : memref<1x16x128xi32, #tpu.memory_space<hbm>> -> memref<16x128xi32, #tpu.memory_space<hbm>>
        %dma_wait3A_65 = arith.constant 0 : i32
        %dma_wait3A_66 = tpu.memref_slice %arg4[%add3A, %add3A_24, %dma_wait3A_65] : memref<32x80x128xi32, #tpu.memory_space<hbm>> -> memref<1x16x128xi32, #tpu.memory_space<hbm>>
        %dma_wait3A_67 = tpu.memref_squeeze %dma_wait3A_66 : memref<1x16x128xi32, #tpu.memory_space<hbm>> -> memref<16x128xi32, #tpu.memory_space<hbm>>
        tpu.wait_dma2 semaphore(%run_scoped3A : memref<!tpu.dma_semaphore, #tpu.memory_space<semaphore_mem>>) src(%dma_wait3A_67 : memref<16x128xi32, #tpu.memory_space<hbm>>) dst(%arg7 : memref<16x128xi32, #tpu.memory_space<vmem>>)
        tpu.yield
      }) : () -> ()
      %dma_start3A = arith.constant 0 : i32
      %dma_start3A_25 = arith.constant 0 : i32
      %dma_start3A_26 = tpu.memref_slice %arg6[%dma_start3A, %dma_start3A_25] : memref<16x128xi32, #tpu.memory_space<vmem>> -> memref<1x128xi32, #tpu.memory_space<vmem>>
      %dma_start3A_27 = tpu.memref_squeeze %dma_start3A_26 : memref<1x128xi32, #tpu.memory_space<vmem>> -> memref<128xi32, #tpu.memory_space<vmem>>
      %dma_start3A_28 = arith.constant 0 : i32
      %dma_start3A_29 = arith.constant 0 : i32
      %dma_start3A_30 = tpu.memref_slice %arg2[%dma_start3A_28, %dma_start3A_29] : memref<10240x128xf32, #tpu.memory_space<hbm>> -> memref<10240x128xf32, #tpu.memory_space<hbm>>
      tpu.enqueue_indirect_dma source(%dma_start3A_30 : memref<10240x128xf32, #tpu.memory_space<hbm>>) target(%arg8 : memref<128x128xf32, #tpu.memory_space<vmem>>) offsets(%dma_start3A_27 : memref<128xi32, #tpu.memory_space<vmem>>) semaphore(%arg10 : memref<!tpu.dma_semaphore, #tpu.memory_space<semaphore_mem>>)
      %dma_start3A_31 = arith.constant 1 : i32
      %dma_start3A_32 = arith.constant 0 : i32
      %dma_start3A_33 = tpu.memref_slice %arg6[%dma_start3A_31, %dma_start3A_32] : memref<16x128xi32, #tpu.memory_space<vmem>> -> memref<1x128xi32, #tpu.memory_space<vmem>>
      %dma_start3A_34 = tpu.memref_squeeze %dma_start3A_33 : memref<1x128xi32, #tpu.memory_space<vmem>> -> memref<128xi32, #tpu.memory_space<vmem>>
      %dma_start3A_35 = arith.constant 0 : i32
      %dma_start3A_36 = arith.constant 0 : i32
      %dma_start3A_37 = tpu.memref_slice %arg2[%dma_start3A_35, %dma_start3A_36] : memref<10240x128xf32, #tpu.memory_space<hbm>> -> memref<10240x128xf32, #tpu.memory_space<hbm>>
      tpu.enqueue_indirect_dma source(%dma_start3A_37 : memref<10240x128xf32, #tpu.memory_space<hbm>>) target(%arg9 : memref<128x128xf32, #tpu.memory_space<vmem>>) offsets(%dma_start3A_34 : memref<128xi32, #tpu.memory_space<vmem>>) semaphore(%arg11 : memref<!tpu.dma_semaphore, #tpu.memory_space<semaphore_mem>>)
      %scan3A_38 = arith.constant 0 : i32
      %scan3A_39 = arith.constant 8 : i32
      %scan3A_40 = arith.addi %scan3A_38, %scan3A_39 : i32
      %scan3A_41 = arith.constant 1 : i32
      scf.for %scan3A_56 = %scan3A_38 to %scan3A_40 step %scan3A_41  : i32 {
        %mul3A_57 = arith.constant 2 : i32
        %mul3A_58 = arith.muli %scan3A_56, %mul3A_57 : i32
        %add3A_59 = arith.constant 0 : i32
        %add3A_60 = arith.addi %add3A_59, %mul3A_58 : i32
        %add3A_61 = arith.constant 0 : i32
        %add3A_62 = arith.addi %add3A_60, %add3A_61 : i32
        %dma_wait3A_63 = arith.constant 0 : i32
        %dma_wait3A_64 = tpu.memref_slice %arg6[%add3A_62, %dma_wait3A_63] : memref<16x128xi32, #tpu.memory_space<vmem>> -> memref<1x128xi32, #tpu.memory_space<vmem>>
        %dma_wait3A_65 = tpu.memref_squeeze %dma_wait3A_64 : memref<1x128xi32, #tpu.memory_space<vmem>> -> memref<128xi32, #tpu.memory_space<vmem>>
        %dma_wait3A_66 = arith.constant 0 : i32
        %dma_wait3A_67 = arith.constant 0 : i32
        %dma_wait3A_68 = tpu.memref_slice %arg2[%dma_wait3A_66, %dma_wait3A_67] : memref<10240x128xf32, #tpu.memory_space<hbm>> -> memref<10240x128xf32, #tpu.memory_space<hbm>>
        tpu.wait_indirect_dma semaphore(%arg10 : memref<!tpu.dma_semaphore, #tpu.memory_space<semaphore_mem>>) src(%dma_wait3A_68 : memref<10240x128xf32, #tpu.memory_space<hbm>>) dst(%arg8 : memref<128x128xf32, #tpu.memory_space<vmem>>)
        %add3A_69 = arith.constant 0 : i32
        %add3A_70 = arith.addi %add3A_60, %add3A_69 : i32
        %dma_start3A_71 = arith.constant 0 : i32
        %dma_start3A_72 = tpu.memref_slice %arg7[%add3A_70, %dma_start3A_71] : memref<16x128xi32, #tpu.memory_space<vmem>> -> memref<1x128xi32, #tpu.memory_space<vmem>>
        %dma_start3A_73 = tpu.memref_squeeze %dma_start3A_72 : memref<1x128xi32, #tpu.memory_space<vmem>> -> memref<128xi32, #tpu.memory_space<vmem>>
        %dma_start3A_74 = arith.constant 0 : i32
        %dma_start3A_75 = arith.constant 0 : i32
        %dma_start3A_76 = tpu.memref_slice %arg15[%dma_start3A_74, %dma_start3A_75] : memref<10240x128xf32, #tpu.memory_space<vmem_shared>> -> memref<10240x128xf32, #tpu.memory_space<vmem_shared>>
        tpu.enqueue_indirect_dma source(%arg8 : memref<128x128xf32, #tpu.memory_space<vmem>>) target(%dma_start3A_76 : memref<10240x128xf32, #tpu.memory_space<vmem_shared>>) offsets(%dma_start3A_73 : memref<128xi32, #tpu.memory_space<vmem>>) semaphore(%arg12 : memref<!tpu.dma_semaphore, #tpu.memory_space<semaphore_mem>>) {add = true}
        %add3A_77 = arith.constant 0 : i32
        %add3A_78 = arith.addi %add3A_60, %add3A_77 : i32
        %add3A_79 = arith.constant 2 : i32
        %add3A_80 = arith.addi %add3A_78, %add3A_79 : i32
        %lt3A = arith.constant 16 : i32
        %lt3A_81 = arith.cmpi slt, %add3A_80, %lt3A : i32
        %convert_element_type3A = arith.extui %lt3A_81 : i1 to i32
        %cond3A = arith.constant 0 : i32
        %cond3A_82 = arith.cmpi ne, %convert_element_type3A, %cond3A : i32
        scf.if %cond3A_82 {
          %add3A_108 = arith.constant 0 : i32
          %add3A_109 = arith.addi %add3A_60, %add3A_108 : i32
          %dma_wait3A_110 = arith.constant 0 : i32
          %dma_wait3A_111 = tpu.memref_slice %arg7[%add3A_109, %dma_wait3A_110] : memref<16x128xi32, #tpu.memory_space<vmem>> -> memref<1x128xi32, #tpu.memory_space<vmem>>
          %dma_wait3A_112 = tpu.memref_squeeze %dma_wait3A_111 : memref<1x128xi32, #tpu.memory_space<vmem>> -> memref<128xi32, #tpu.memory_space<vmem>>
          %dma_wait3A_113 = arith.constant 0 : i32
          %dma_wait3A_114 = arith.constant 0 : i32
          %dma_wait3A_115 = tpu.memref_slice %arg15[%dma_wait3A_113, %dma_wait3A_114] : memref<10240x128xf32, #tpu.memory_space<vmem_shared>> -> memref<10240x128xf32, #tpu.memory_space<vmem_shared>>
          tpu.wait_indirect_dma semaphore(%arg12 : memref<!tpu.dma_semaphore, #tpu.memory_space<semaphore_mem>>) src(%arg8 : memref<128x128xf32, #tpu.memory_space<vmem>>) dst(%dma_wait3A_115 : memref<10240x128xf32, #tpu.memory_space<vmem_shared>>)
          %add3A_116 = arith.constant 0 : i32
          %add3A_117 = arith.addi %add3A_60, %add3A_116 : i32
          %add3A_118 = arith.constant 2 : i32
          %add3A_119 = arith.addi %add3A_117, %add3A_118 : i32
          %dma_start3A_120 = arith.constant 0 : i32
          %dma_start3A_121 = tpu.memref_slice %arg6[%add3A_119, %dma_start3A_120] : memref<16x128xi32, #tpu.memory_space<vmem>> -> memref<1x128xi32, #tpu.memory_space<vmem>>
          %dma_start3A_122 = tpu.memref_squeeze %dma_start3A_121 : memref<1x128xi32, #tpu.memory_space<vmem>> -> memref<128xi32, #tpu.memory_space<vmem>>
          %dma_start3A_123 = arith.constant 0 : i32
          %dma_start3A_124 = arith.constant 0 : i32
          %dma_start3A_125 = tpu.memref_slice %arg2[%dma_start3A_123, %dma_start3A_124] : memref<10240x128xf32, #tpu.memory_space<hbm>> -> memref<10240x128xf32, #tpu.memory_space<hbm>>
          tpu.enqueue_indirect_dma source(%dma_start3A_125 : memref<10240x128xf32, #tpu.memory_space<hbm>>) target(%arg8 : memref<128x128xf32, #tpu.memory_space<vmem>>) offsets(%dma_start3A_122 : memref<128xi32, #tpu.memory_space<vmem>>) semaphore(%arg10 : memref<!tpu.dma_semaphore, #tpu.memory_space<semaphore_mem>>)
        } else {
        }
        %add3A_83 = arith.constant 1 : i32
        %add3A_84 = arith.addi %add3A_60, %add3A_83 : i32
        %dma_wait3A_85 = arith.constant 0 : i32
        %dma_wait3A_86 = tpu.memref_slice %arg6[%add3A_84, %dma_wait3A_85] : memref<16x128xi32, #tpu.memory_space<vmem>> -> memref<1x128xi32, #tpu.memory_space<vmem>>
        %dma_wait3A_87 = tpu.memref_squeeze %dma_wait3A_86 : memref<1x128xi32, #tpu.memory_space<vmem>> -> memref<128xi32, #tpu.memory_space<vmem>>
        %dma_wait3A_88 = arith.constant 0 : i32
        %dma_wait3A_89 = arith.constant 0 : i32
        %dma_wait3A_90 = tpu.memref_slice %arg2[%dma_wait3A_88, %dma_wait3A_89] : memref<10240x128xf32, #tpu.memory_space<hbm>> -> memref<10240x128xf32, #tpu.memory_space<hbm>>
        tpu.wait_indirect_dma semaphore(%arg11 : memref<!tpu.dma_semaphore, #tpu.memory_space<semaphore_mem>>) src(%dma_wait3A_90 : memref<10240x128xf32, #tpu.memory_space<hbm>>) dst(%arg9 : memref<128x128xf32, #tpu.memory_space<vmem>>)
        %add3A_91 = arith.constant 1 : i32
        %add3A_92 = arith.addi %add3A_60, %add3A_91 : i32
        %dma_start3A_93 = arith.constant 0 : i32
        %dma_start3A_94 = tpu.memref_slice %arg7[%add3A_92, %dma_start3A_93] : memref<16x128xi32, #tpu.memory_space<vmem>> -> memref<1x128xi32, #tpu.memory_space<vmem>>
        %dma_start3A_95 = tpu.memref_squeeze %dma_start3A_94 : memref<1x128xi32, #tpu.memory_space<vmem>> -> memref<128xi32, #tpu.memory_space<vmem>>
        %dma_start3A_96 = arith.constant 0 : i32
        %dma_start3A_97 = arith.constant 0 : i32
        %dma_start3A_98 = tpu.memref_slice %arg15[%dma_start3A_96, %dma_start3A_97] : memref<10240x128xf32, #tpu.memory_space<vmem_shared>> -> memref<10240x128xf32, #tpu.memory_space<vmem_shared>>
        tpu.enqueue_indirect_dma source(%arg9 : memref<128x128xf32, #tpu.memory_space<vmem>>) target(%dma_start3A_98 : memref<10240x128xf32, #tpu.memory_space<vmem_shared>>) offsets(%dma_start3A_95 : memref<128xi32, #tpu.memory_space<vmem>>) semaphore(%arg13 : memref<!tpu.dma_semaphore, #tpu.memory_space<semaphore_mem>>) {add = true}
        %add3A_99 = arith.constant 1 : i32
        %add3A_100 = arith.addi %add3A_60, %add3A_99 : i32
        %add3A_101 = arith.constant 2 : i32
        %add3A_102 = arith.addi %add3A_100, %add3A_101 : i32
        %lt3A_103 = arith.constant 16 : i32
        %lt3A_104 = arith.cmpi slt, %add3A_102, %lt3A_103 : i32
        %convert_element_type3A_105 = arith.extui %lt3A_104 : i1 to i32
        %cond3A_106 = arith.constant 0 : i32
        %cond3A_107 = arith.cmpi ne, %convert_element_type3A_105, %cond3A_106 : i32
        scf.if %cond3A_107 {
          %add3A_108 = arith.constant 1 : i32
          %add3A_109 = arith.addi %add3A_60, %add3A_108 : i32
          %dma_wait3A_110 = arith.constant 0 : i32
          %dma_wait3A_111 = tpu.memref_slice %arg7[%add3A_109, %dma_wait3A_110] : memref<16x128xi32, #tpu.memory_space<vmem>> -> memref<1x128xi32, #tpu.memory_space<vmem>>
          %dma_wait3A_112 = tpu.memref_squeeze %dma_wait3A_111 : memref<1x128xi32, #tpu.memory_space<vmem>> -> memref<128xi32, #tpu.memory_space<vmem>>
          %dma_wait3A_113 = arith.constant 0 : i32
          %dma_wait3A_114 = arith.constant 0 : i32
          %dma_wait3A_115 = tpu.memref_slice %arg15[%dma_wait3A_113, %dma_wait3A_114] : memref<10240x128xf32, #tpu.memory_space<vmem_shared>> -> memref<10240x128xf32, #tpu.memory_space<vmem_shared>>
          tpu.wait_indirect_dma semaphore(%arg13 : memref<!tpu.dma_semaphore, #tpu.memory_space<semaphore_mem>>) src(%arg9 : memref<128x128xf32, #tpu.memory_space<vmem>>) dst(%dma_wait3A_115 : memref<10240x128xf32, #tpu.memory_space<vmem_shared>>)
          %add3A_116 = arith.constant 1 : i32
          %add3A_117 = arith.addi %add3A_60, %add3A_116 : i32
          %add3A_118 = arith.constant 2 : i32
          %add3A_119 = arith.addi %add3A_117, %add3A_118 : i32
          %dma_start3A_120 = arith.constant 0 : i32
          %dma_start3A_121 = tpu.memref_slice %arg6[%add3A_119, %dma_start3A_120] : memref<16x128xi32, #tpu.memory_space<vmem>> -> memref<1x128xi32, #tpu.memory_space<vmem>>
          %dma_start3A_122 = tpu.memref_squeeze %dma_start3A_121 : memref<1x128xi32, #tpu.memory_space<vmem>> -> memref<128xi32, #tpu.memory_space<vmem>>
          %dma_start3A_123 = arith.constant 0 : i32
          %dma_start3A_124 = arith.constant 0 : i32
          %dma_start3A_125 = tpu.memref_slice %arg2[%dma_start3A_123, %dma_start3A_124] : memref<10240x128xf32, #tpu.memory_space<hbm>> -> memref<10240x128xf32, #tpu.memory_space<hbm>>
          tpu.enqueue_indirect_dma source(%dma_start3A_125 : memref<10240x128xf32, #tpu.memory_space<hbm>>) target(%arg9 : memref<128x128xf32, #tpu.memory_space<vmem>>) offsets(%dma_start3A_122 : memref<128xi32, #tpu.memory_space<vmem>>) semaphore(%arg11 : memref<!tpu.dma_semaphore, #tpu.memory_space<semaphore_mem>>)
        } else {
        }
      }
      %scan3A_42 = arith.constant 8 : i32
      %dma_wait3A = arith.constant 14 : i32
      %dma_wait3A_43 = arith.constant 0 : i32
      %dma_wait3A_44 = tpu.memref_slice %arg7[%dma_wait3A, %dma_wait3A_43] : memref<16x128xi32, #tpu.memory_space<vmem>> -> memref<1x128xi32, #tpu.memory_space<vmem>>
      %dma_wait3A_45 = tpu.memref_squeeze %dma_wait3A_44 : memref<1x128xi32, #tpu.memory_space<vmem>> -> memref<128xi32, #tpu.memory_space<vmem>>
      %dma_wait3A_46 = arith.constant 0 : i32
      %dma_wait3A_47 = arith.constant 0 : i32
      %dma_wait3A_48 = tpu.memref_slice %arg15[%dma_wait3A_46, %dma_wait3A_47] : memref<10240x128xf32, #tpu.memory_space<vmem_shared>> -> memref<10240x128xf32, #tpu.memory_space<vmem_shared>>
      tpu.wait_indirect_dma semaphore(%arg12 : memref<!tpu.dma_semaphore, #tpu.memory_space<semaphore_mem>>) src(%arg8 : memref<128x128xf32, #tpu.memory_space<vmem>>) dst(%dma_wait3A_48 : memref<10240x128xf32, #tpu.memory_space<vmem_shared>>)
      %dma_wait3A_49 = arith.constant 15 : i32
      %dma_wait3A_50 = arith.constant 0 : i32
      %dma_wait3A_51 = tpu.memref_slice %arg7[%dma_wait3A_49, %dma_wait3A_50] : memref<16x128xi32, #tpu.memory_space<vmem>> -> memref<1x128xi32, #tpu.memory_space<vmem>>
      %dma_wait3A_52 = tpu.memref_squeeze %dma_wait3A_51 : memref<1x128xi32, #tpu.memory_space<vmem>> -> memref<128xi32, #tpu.memory_space<vmem>>
      %dma_wait3A_53 = arith.constant 0 : i32
      %dma_wait3A_54 = arith.constant 0 : i32
      %dma_wait3A_55 = tpu.memref_slice %arg15[%dma_wait3A_53, %dma_wait3A_54] : memref<10240x128xf32, #tpu.memory_space<vmem_shared>> -> memref<10240x128xf32, #tpu.memory_space<vmem_shared>>
      tpu.wait_indirect_dma semaphore(%arg13 : memref<!tpu.dma_semaphore, #tpu.memory_space<semaphore_mem>>) src(%arg9 : memref<128x128xf32, #tpu.memory_space<vmem>>) dst(%dma_wait3A_55 : memref<10240x128xf32, #tpu.memory_space<vmem_shared>>)
    }
    %scan3A_14 = arith.constant 5 : i32
    %barrier3A_15 = arith.constant 0 : index
    tpu.barrier barrier_id(%barrier3A_15)
    %mul3A_16 = arith.constant 640 : i32
    %mul3A_17 = arith.muli %arg1, %mul3A_16 : i32
    %mul3A_18 = arith.constant 640 : i32
    %mul3A_19 = arith.muli %arg1, %mul3A_18 : i32
    "tpu.region"() ({
      %run_scoped3A = tpu.sem_alloc : memref<!tpu.dma_semaphore, #tpu.memory_space<semaphore_mem>>
      %dma_start3A = arith.constant 0 : i32
      %dma_start3A_20 = tpu.memref_slice %arg5[%arg0, %mul3A_19, %dma_start3A] : memref<2x10240x128xf32, #tpu.memory_space<hbm>> -> memref<1x640x128xf32, #tpu.memory_space<hbm>>
      %dma_start3A_21 = tpu.memref_squeeze %dma_start3A_20 : memref<1x640x128xf32, #tpu.memory_space<hbm>> -> memref<640x128xf32, #tpu.memory_space<hbm>>
      %dma_start3A_22 = arith.constant 0 : i32
      %dma_start3A_23 = tpu.memref_slice %arg15[%mul3A_17, %dma_start3A_22] : memref<10240x128xf32, #tpu.memory_space<vmem_shared>> -> memref<640x128xf32, #tpu.memory_space<vmem_shared>>
      tpu.enqueue_dma source(%dma_start3A_23 : memref<640x128xf32, #tpu.memory_space<vmem_shared>>) target(%dma_start3A_21 : memref<640x128xf32, #tpu.memory_space<hbm>>) target_semaphore(%run_scoped3A : memref<!tpu.dma_semaphore, #tpu.memory_space<semaphore_mem>>)
      %dma_wait3A = arith.constant 0 : i32
      %dma_wait3A_24 = tpu.memref_slice %arg5[%arg0, %mul3A_19, %dma_wait3A] : memref<2x10240x128xf32, #tpu.memory_space<hbm>> -> memref<1x640x128xf32, #tpu.memory_space<hbm>>
      %dma_wait3A_25 = tpu.memref_squeeze %dma_wait3A_24 : memref<1x640x128xf32, #tpu.memory_space<hbm>> -> memref<640x128xf32, #tpu.memory_space<hbm>>
      %dma_wait3A_26 = arith.constant 0 : i32
      %dma_wait3A_27 = tpu.memref_slice %arg15[%mul3A_17, %dma_wait3A_26] : memref<10240x128xf32, #tpu.memory_space<vmem_shared>> -> memref<640x128xf32, #tpu.memory_space<vmem_shared>>
      tpu.wait_dma2 semaphore(%run_scoped3A : memref<!tpu.dma_semaphore, #tpu.memory_space<semaphore_mem>>) src(%dma_wait3A_27 : memref<640x128xf32, #tpu.memory_space<vmem_shared>>) dst(%dma_wait3A_25 : memref<640x128xf32, #tpu.memory_space<hbm>>)
      tpu.yield
    }) : () -> ()
    return
  }
}

module attributes {stable_mosaic.version = 14 : i64} {
  func.func @body(%arg0: i32, %arg1: memref<1024x128xf32, #tpu.memory_space<vmem>>, %arg2: memref<128x128xf32, #tpu.memory_space<vmem>>, %arg3: memref<1024x128xf32, #tpu.memory_space<vmem>>) attributes {dimension_semantics = [#tpu.dimension_semantics<arbitrary>], iteration_bounds = array<i64: 10>, scalar_prefetch = 0 : i64, scratch_operands = 0 : i64, tpu.core_type = #tpu.core_type<tc>, window_params = [{transform_indices = @transform_0, window_bounds = array<i64: 1024, 128>}, {pipeline_mode = #tpu.pipeline_mode<synchronous>, transform_indices = @transform_1, window_bounds = array<i64: 128, 128>}, {transform_indices = @transform_2, window_bounds = array<i64: 1024, 128>}]} {
    %get3A = arith.constant 0 : index
    %get3A_0 = arith.constant 0 : index
    %get3A_1 = vector.load %arg1[%get3A, %get3A_0] : memref<1024x128xf32, #tpu.memory_space<vmem>>, vector<1024x128xf32>
    %get3A_2 = arith.constant 0 : index
    %get3A_3 = arith.constant 0 : index
    %get3A_4 = vector.load %arg2[%get3A_2, %get3A_3] : memref<128x128xf32, #tpu.memory_space<vmem>>, vector<128x128xf32>
    %dot_general3A = arith.constant dense<0.000000e+00> : vector<1024x128xf32>
    %dot_general3A_5 = tpu.matmul %get3A_1, %get3A_4, %dot_general3A {dimension_numbers = #tpu.dot_dimension_numbers<[1], [0], [0], [1], [0, 0, 1, 1], [], []>, transpose_lhs_hint = false} : vector<1024x128xf32>, vector<128x128xf32>, vector<1024x128xf32> -> vector<1024x128xf32>
    %swap3A = arith.constant 0 : index
    %swap3A_6 = arith.constant 0 : index
    %swap3A_7 = vector.load %arg3[%swap3A, %swap3A_6] : memref<1024x128xf32, #tpu.memory_space<vmem>>, vector<1024x128xf32>
    tpu.vector_store %arg3[%swap3A, %swap3A_6], %dot_general3A_5 {strides = array<i32>} : memref<1024x128xf32, #tpu.memory_space<vmem>>, vector<1024x128xf32>,
    return
  }
  func.func @transform_0(%arg0: i32) -> (i32, i32) {
    %c0_i32 = arith.constant 0 : i32
    %c0_i32_0 = arith.constant 0 : i32
    return %arg0, %c0_i32 : i32, i32
  }
  func.func @transform_1(%arg0: i32) -> (i32, i32) {
    %c0_i32 = arith.constant 0 : i32
    %c0_i32_0 = arith.constant 0 : i32
    %c0_i32_1 = arith.constant 0 : i32
    return %c0_i32, %c0_i32_0 : i32, i32
  }
  func.func @transform_2(%arg0: i32) -> (i32, i32) {
    %c0_i32 = arith.constant 0 : i32
    %c0_i32_0 = arith.constant 0 : i32
    return %arg0, %c0_i32 : i32, i32
  }
}

module attributes {stable_mosaic.version = 14 : i64} {
  func.func @body(%arg0: i32, %arg1: memref<1024x128xf32, #tpu.memory_space<vmem>>, %arg2: memref<32x1024xf32, #tpu.memory_space<vmem>>, %arg3: memref<1024x128xf32, #tpu.memory_space<vmem>>) attributes {dimension_semantics = [#tpu.dimension_semantics<arbitrary>], iteration_bounds = array<i64: 10>, scalar_prefetch = 0 : i64, scratch_operands = 0 : i64, tpu.core_type = #tpu.core_type<tc>, window_params = [{transform_indices = @transform_0, window_bounds = array<i64: 1024, 128>}, {transform_indices = @transform_1, window_bounds = array<i64: 32, 1024>}, {transform_indices = @transform_2, window_bounds = array<i64: 1024, 128>}]} {
    %get3A = arith.constant 0 : index
    %get3A_0 = arith.constant 0 : index
    %get3A_1 = vector.load %arg2[%get3A, %get3A_0] : memref<32x1024xf32, #tpu.memory_space<vmem>>, vector<32x1024xf32>
    %reduce_sum3A = arith.constant dense<0.000000e+00> : vector<1024xf32>
    %reduce_sum3A_2 = vector.multi_reduction <add>, %get3A_1, %reduce_sum3A [0] : vector<32x1024xf32> to vector<1024xf32>
    %add3A = arith.constant 1.000000e+00 : f32
    %add3A_3 = vector.broadcast %add3A : f32 to vector<1024xf32>
    %add3A_4 = arith.addf %reduce_sum3A_2, %add3A_3 : vector<1024xf32>
    %rsqrt3A = math.rsqrt %add3A_4 : vector<1024xf32>
    %broadcast_in_dim3A = vector.shape_cast %rsqrt3A : vector<1024xf32> to vector<1024x1xf32>
    %get3A_5 = arith.constant 0 : index
    %get3A_6 = arith.constant 0 : index
    %get3A_7 = vector.load %arg1[%get3A_5, %get3A_6] : memref<1024x128xf32, #tpu.memory_space<vmem>>, vector<1024x128xf32>
    %mul3A = vector.broadcast %broadcast_in_dim3A : vector<1024x1xf32> to vector<1024x128xf32>
    %mul3A_8 = arith.mulf %get3A_7, %mul3A : vector<1024x128xf32>
    %swap3A = arith.constant 0 : index
    %swap3A_9 = arith.constant 0 : index
    %swap3A_10 = vector.load %arg3[%swap3A, %swap3A_9] : memref<1024x128xf32, #tpu.memory_space<vmem>>, vector<1024x128xf32>
    tpu.vector_store %arg3[%swap3A, %swap3A_9], %mul3A_8 {strides = array<i32>} : memref<1024x128xf32, #tpu.memory_space<vmem>>, vector<1024x128xf32>,
    return
  }
  func.func @transform_0(%arg0: i32) -> (i32, i32) {
    %c0_i32 = arith.constant 0 : i32
    %c0_i32_0 = arith.constant 0 : i32
    return %arg0, %c0_i32 : i32, i32
  }
  func.func @transform_1(%arg0: i32) -> (i32, i32) {
    %c0_i32 = arith.constant 0 : i32
    %c0_i32_0 = arith.constant 0 : i32
    return %c0_i32, %arg0 : i32, i32
  }
  func.func @transform_2(%arg0: i32) -> (i32, i32) {
    %c0_i32 = arith.constant 0 : i32
    %c0_i32_0 = arith.constant 0 : i32
    return %arg0, %c0_i32 : i32, i32
  }
}

module attributes {stable_mosaic.version = 14 : i64} {
  func.func @body(%arg0: i32, %arg1: memref<2x1024x128xf32, #tpu.memory_space<vmem>>, %arg2: memref<1024x128xf32, #tpu.memory_space<vmem>>, %arg3: memref<32x1024xf32, #tpu.memory_space<vmem>>, %arg4: memref<1x128xf32, #tpu.memory_space<vmem>>, %arg5: memref<1x128xf32, #tpu.memory_space<vmem>>, %arg6: memref<1x128xf32, #tpu.memory_space<vmem>>, %arg7: memref<1x128xf32, #tpu.memory_space<vmem>>, %arg8: memref<1x128xf32, #tpu.memory_space<vmem>>, %arg9: memref<1024x128xf32, #tpu.memory_space<vmem>>) attributes {dimension_semantics = [#tpu.dimension_semantics<arbitrary>], iteration_bounds = array<i64: 10>, scalar_prefetch = 0 : i64, scratch_operands = 0 : i64, tpu.core_type = #tpu.core_type<tc>, window_params = [{transform_indices = @transform_0, window_bounds = array<i64: 2, 1024, 128>}, {transform_indices = @transform_1, window_bounds = array<i64: 1024, 128>}, {transform_indices = @transform_2, window_bounds = array<i64: 32, 1024>}, {pipeline_mode = #tpu.pipeline_mode<synchronous>, transform_indices = @transform_3, window_bounds = array<i64: 1, 128>}, {pipeline_mode = #tpu.pipeline_mode<synchronous>, transform_indices = @transform_4, window_bounds = array<i64: 1, 128>}, {pipeline_mode = #tpu.pipeline_mode<synchronous>, transform_indices = @transform_5, window_bounds = array<i64: 1, 128>}, {pipeline_mode = #tpu.pipeline_mode<synchronous>, transform_indices = @transform_6, window_bounds = array<i64: 1, 128>}, {pipeline_mode = #tpu.pipeline_mode<synchronous>, transform_indices = @transform_7, window_bounds = array<i64: 1, 128>}, {transform_indices = @transform_8, window_bounds = array<i64: 1024, 128>}]} {
    %get3A = arith.constant 0 : index
    %get3A_0 = arith.constant 0 : index
    %get3A_1 = vector.load %arg3[%get3A, %get3A_0] : memref<32x1024xf32, #tpu.memory_space<vmem>>, vector<32x1024xf32>
    %reduce_sum3A = arith.constant dense<0.000000e+00> : vector<1024xf32>
    %reduce_sum3A_2 = vector.multi_reduction <add>, %get3A_1, %reduce_sum3A [0] : vector<32x1024xf32> to vector<1024xf32>
    %add3A = arith.constant 1.000000e+00 : f32
    %add3A_3 = vector.broadcast %add3A : f32 to vector<1024xf32>
    %add3A_4 = arith.addf %reduce_sum3A_2, %add3A_3 : vector<1024xf32>
    %rsqrt3A = math.rsqrt %add3A_4 : vector<1024xf32>
    %broadcast_in_dim3A = vector.shape_cast %rsqrt3A : vector<1024xf32> to vector<1024x1xf32>
    %get3A_5 = arith.constant 0 : index
    %get3A_6 = arith.constant 0 : index
    %get3A_7 = arith.constant 0 : index
    %get3A_8 = vector.load %arg1[%get3A_5, %get3A_6, %get3A_7] : memref<2x1024x128xf32, #tpu.memory_space<vmem>>, vector<1x1024x128xf32>
    %get3A_9 = vector.shape_cast %get3A_8 : vector<1x1024x128xf32> to vector<1024x128xf32>
    %get3A_10 = arith.constant 1 : index
    %get3A_11 = arith.constant 0 : index
    %get3A_12 = arith.constant 0 : index
    %get3A_13 = vector.load %arg1[%get3A_10, %get3A_11, %get3A_12] : memref<2x1024x128xf32, #tpu.memory_space<vmem>>, vector<1x1024x128xf32>
    %get3A_14 = vector.shape_cast %get3A_13 : vector<1x1024x128xf32> to vector<1024x128xf32>
    %add3A_15 = arith.addf %get3A_9, %get3A_14 : vector<1024x128xf32>
    %get3A_16 = arith.constant 0 : index
    %get3A_17 = arith.constant 0 : index
    %get3A_18 = vector.load %arg2[%get3A_16, %get3A_17] : memref<1024x128xf32, #tpu.memory_space<vmem>>, vector<1024x128xf32>
    %add3A_19 = arith.addf %add3A_15, %get3A_18 : vector<1024x128xf32>
    %mul3A = vector.broadcast %broadcast_in_dim3A : vector<1024x1xf32> to vector<1024x128xf32>
    %mul3A_20 = arith.mulf %add3A_19, %mul3A : vector<1024x128xf32>
    %get3A_21 = arith.constant 0 : index
    %get3A_22 = arith.constant 0 : index
    %get3A_23 = vector.load %arg4[%get3A_21, %get3A_22] : memref<1x128xf32, #tpu.memory_space<vmem>>, vector<1x128xf32>
    %add3A_24 = vector.broadcast %get3A_23 : vector<1x128xf32> to vector<1024x128xf32>
    %add3A_25 = arith.addf %mul3A_20, %add3A_24 : vector<1024x128xf32>
    %max3A = arith.constant 0.000000e+00 : f32
    %max3A_26 = vector.broadcast %max3A : f32 to vector<1024x128xf32>
    %max3A_27 = arith.maximumf %add3A_25, %max3A_26 : vector<1024x128xf32>
    %get3A_28 = arith.constant 0 : index
    %get3A_29 = arith.constant 0 : index
    %get3A_30 = vector.load %arg5[%get3A_28, %get3A_29] : memref<1x128xf32, #tpu.memory_space<vmem>>, vector<1x128xf32>
    %get3A_31 = arith.constant 0 : index
    %get3A_32 = arith.constant 0 : index
    %get3A_33 = vector.load %arg8[%get3A_31, %get3A_32] : memref<1x128xf32, #tpu.memory_space<vmem>>, vector<1x128xf32>
    %add3A_34 = arith.constant 9.99999974E-6 : f32
    %add3A_35 = vector.broadcast %add3A_34 : f32 to vector<1x128xf32>
    %add3A_36 = arith.addf %get3A_33, %add3A_35 : vector<1x128xf32>
    %rsqrt3A_37 = math.rsqrt %add3A_36 : vector<1x128xf32>
    %mul3A_38 = arith.mulf %get3A_30, %rsqrt3A_37 : vector<1x128xf32>
    %get3A_39 = arith.constant 0 : index
    %get3A_40 = arith.constant 0 : index
    %get3A_41 = vector.load %arg7[%get3A_39, %get3A_40] : memref<1x128xf32, #tpu.memory_space<vmem>>, vector<1x128xf32>
    %sub3A = vector.broadcast %get3A_41 : vector<1x128xf32> to vector<1024x128xf32>
    %sub3A_42 = arith.subf %max3A_27, %sub3A : vector<1024x128xf32>
    %mul3A_43 = vector.broadcast %mul3A_38 : vector<1x128xf32> to vector<1024x128xf32>
    %mul3A_44 = arith.mulf %sub3A_42, %mul3A_43 : vector<1024x128xf32>
    %get3A_45 = arith.constant 0 : index
    %get3A_46 = arith.constant 0 : index
    %get3A_47 = vector.load %arg6[%get3A_45, %get3A_46] : memref<1x128xf32, #tpu.memory_space<vmem>>, vector<1x128xf32>
    %add3A_48 = vector.broadcast %get3A_47 : vector<1x128xf32> to vector<1024x128xf32>
    %add3A_49 = arith.addf %mul3A_44, %add3A_48 : vector<1024x128xf32>
    %swap3A = arith.constant 0 : index
    %swap3A_50 = arith.constant 0 : index
    %swap3A_51 = vector.load %arg9[%swap3A, %swap3A_50] : memref<1024x128xf32, #tpu.memory_space<vmem>>, vector<1024x128xf32>
    tpu.vector_store %arg9[%swap3A, %swap3A_50], %add3A_49 {strides = array<i32>} : memref<1024x128xf32, #tpu.memory_space<vmem>>, vector<1024x128xf32>,
    return
  }
  func.func @transform_0(%arg0: i32) -> (i32, i32, i32) {
    %c0_i32 = arith.constant 0 : i32
    %c0_i32_0 = arith.constant 0 : i32
    %c0_i32_1 = arith.constant 0 : i32
    return %c0_i32, %arg0, %c0_i32_0 : i32, i32, i32
  }
  func.func @transform_1(%arg0: i32) -> (i32, i32) {
    %c0_i32 = arith.constant 0 : i32
    %c0_i32_0 = arith.constant 0 : i32
    return %arg0, %c0_i32 : i32, i32
  }
  func.func @transform_2(%arg0: i32) -> (i32, i32) {
    %c0_i32 = arith.constant 0 : i32
    %c0_i32_0 = arith.constant 0 : i32
    return %c0_i32, %arg0 : i32, i32
  }
  func.func @transform_3(%arg0: i32) -> (i32, i32) {
    %c0_i32 = arith.constant 0 : i32
    %c0_i32_0 = arith.constant 0 : i32
    %c0_i32_1 = arith.constant 0 : i32
    return %c0_i32, %c0_i32_0 : i32, i32
  }
  func.func @transform_4(%arg0: i32) -> (i32, i32) {
    %c0_i32 = arith.constant 0 : i32
    %c0_i32_0 = arith.constant 0 : i32
    %c0_i32_1 = arith.constant 0 : i32
    return %c0_i32, %c0_i32_0 : i32, i32
  }
  func.func @transform_5(%arg0: i32) -> (i32, i32) {
    %c0_i32 = arith.constant 0 : i32
    %c0_i32_0 = arith.constant 0 : i32
    %c0_i32_1 = arith.constant 0 : i32
    return %c0_i32, %c0_i32_0 : i32, i32
  }
  func.func @transform_6(%arg0: i32) -> (i32, i32) {
    %c0_i32 = arith.constant 0 : i32
    %c0_i32_0 = arith.constant 0 : i32
    %c0_i32_1 = arith.constant 0 : i32
    return %c0_i32, %c0_i32_0 : i32, i32
  }
  func.func @transform_7(%arg0: i32) -> (i32, i32) {
    %c0_i32 = arith.constant 0 : i32
    %c0_i32_0 = arith.constant 0 : i32
    %c0_i32_1 = arith.constant 0 : i32
    return %c0_i32, %c0_i32_0 : i32, i32
  }
  func.func @transform_8(%arg0: i32) -> (i32, i32) {
    %c0_i32 = arith.constant 0 : i32
    %c0_i32_0 = arith.constant 0 : i32
    return %arg0, %c0_i32 : i32, i32
  }
}

</mosaic_0001>

<sc_bundles>
// kernel: kernel.10.cloned.1.call-start
scs
__scs_entry_jumppad:
0x0: {  	(pc) =	sbr.rel $0x88, $3  }
0x1: {  	(tag) =	ssettag $0x0;
	lr =	simm.s32 $0x1  }
0x2: {  	[smem:$0x3F99] =	sst lr;
	_ =	strace $0xD0000000  }
0x3: {  	_ = 	snop  }
0x4: {  	_ = 	snop  }
0x5: {  	_ = 	snop  }
0x6: {  	_ = 	snop  }
0x7: {  	_ = 	snop  }
__scs_overlays_trampoline_lowered:
0x8: {  	[smem:$0x3FA8] =	sst s0  }
0x9: {  	[smem:$0x3FA9] =	sst s1  }
0xa: {  	[smem:$0x3FAA] =	sst s2  }
0xb: {  	[smem:$0x3FAB] =	sst s3  }
0xc: {  	[smem:$0x3FAC] =	sst s4  }
0xd: {  	[smem:$0x3FAD] =	sst s5  }
0xe: {  	[smem:$0x3FAE] =	sst s6  }
0xf: {  	[smem:$0x3FAF] =	sst s7  }
0x10: {  	[smem:$0x3FB0] =	sst s8  }
0x11: {  	[smem:$0x3FB1] =	sst s9;
	s0 =	simm.s32 @!p0 $0x0  }
0x12: {  	s1 =	sld [smem:$0x3F97];
	s0 =	simm.s32 @p0 $0x1  }
0x13: {  	[smem:$0x3FB2] =	sst s0;
	s0 =	simm.s32 @!p1 $0x0  }
0x14: {  	s2 =	sld [smem:$0x3F96];
	s0 =	simm.s32 @p1 $0x1  }
0x15: {  	[smem:$0x3FB3] =	sst s0;
	s0 =	simm.s32 @!p2 $0x0  }
0x16: {  	s3 =	sld [smem:$0x3FDB];
	s0 =	simm.s32 @p2 $0x1  }
0x17: {  	s4 =	simm.s32 $0x1BF5;
	[smem:$0x3FB5] =	sst s0  }
0x18: {  	s0 =	sld [smem:$0x3F98];
	_ =	swait.ge [sflag:s4], $0x0  }
0x19: {  	s7 =	sld [smem:$0x3F99]  }
0x1a: {  	s8 =	sadd.s32 $0xFFFFE003, lr  }
0x1b: {  	s9 =	sadd.s32 $0xFFFFFEF7, lr;
	s5 =	simm.s32 $0xFFFFFFFF;
	p2 =	slt.u32 s8, $0xFFFFF086  }
0x1c: {  	p1 =	slt.u32 s9, $0xF7A;
	s5 =	simm.s32 @!p2 $0x0  }
0x1d: {  	s5 =	simm.s32 @p1 $0x1;
	p0 =	seq.s32 s7, s2  }
0x1e: {  	s7 =	smul.u32 @!p0 $0xF7A, s2;
	p2 =	seq.s32 @!p0 s5, $0x0  }
0x1f: {  	s9 =	smul.u32 $0xF7A, s1;
	s8 =	simm.s32 @!p0 $0x1BF5;
	p2 =	por !p2, p0  }
0x20: {  	[sflag:s8] =	ssyncset.s32 @!p0 $0xFFFFF086;
	s6 =	sadd.s32 @!p0 s3, s7;
	s7 =	simm.s32 @!p0 $0x108  }
0x21: {  	s3 =	sadd.s32 s3, s9;
	s6 =	sadd.s32 @!p0 $0x88, s6;
	s7 =	simm.s32 @p2 $0x1082  }
0x22: {  	[simem:s7], [sflag:s8] =	dma.local @!p0 [hbm:s6], $0xF7A  }
0x23: {  	s9 =	sor.u32 $0xD0000000, s2;
	s6 =	simm.s32 $0x108;
	_ =	swait.ge @!p0 [sflag:s8], $0x0  }
0x24: {  	s3 =	sadd.s32 $0x88, s3;
	s6 =	simm.s32 @!p1 $0x1082;
	[sflag:s4] =	ssyncset.s32 $0xFFFFF086  }
0x25: {  	[simem:s6], [sflag:s4] =	dma.local [hbm:s3], $0xF7A  }
0x26: {  	[smem:$0x3F99] =	sst s1;
	(tag) =	ssettag s2;
	_ =	strace s9  }
0x27: {  	s1 =	sld [smem:$0x3FA9]  }
0x28: {  	s2 =	sld [smem:$0x3FAA]  }
0x29: {  	s4 =	sld [smem:$0x3FAC]  }
0x2a: {  	p0 =	seq.s32 s5, $0x0;
	s5 =	sld [smem:$0x3FAD]  }
0x2b: {  	s6 =	sld [smem:$0x3FAE]  }
0x2c: {  	s7 =	sld [smem:$0x3FAF]  }
0x2d: {  	s3 =	simm.s32 $0x108;
	s8 =	sld [smem:$0x3FB0]  }
0x2e: {  	s3 =	simm.s32 @!p0 $0x1082;
	s9 =	sld [smem:$0x3FB1]  }
0x2f: {  	lr =	sadd.s32 s0, s3;
	s0 =	sld [smem:$0x3FA8]  }
0x30: {  	s3 =	sld [smem:$0x3FAB]  }
0x31: {  	[smem:$0x3FB4] =	sst s10  }
0x32: {  	s10 =	sld [smem:$0x3FB2];
	_ =	sdelay $0x3  }
0x33: {  	p0 =	seq.s32 s10, $0x1;
	s10 =	sld [smem:$0x3FB4];
	_ =	sdelay $0x3  }
0x34: {  	[smem:$0x3FB4] =	sst s10  }
0x35: {  	s10 =	sld [smem:$0x3FB3];
	_ =	sdelay $0x3  }
0x36: {  	p1 =	seq.s32 s10, $0x1;
	s10 =	sld [smem:$0x3FB4];
	_ =	sdelay $0x3  }
0x37: {  	[smem:$0x3FB4] =	sst s10  }
0x38: {  	s10 =	sld [smem:$0x3FB5]  }
0x39: {  	_ = 	snop;
	(pc) =	sbr.ind lr, $3  }
0x3a: {  	_ = 	snop  }
0x3b: {  	_ = 	snop  }
0x3c: {  	p2 =	seq.s32 s10, $0x1;
	s10 =	sld [smem:$0x3FB4]  }
0x3d: {  	_ =	shalt  }
0x3e: {  	_ =	shalt  }
0x3f: {  	_ =	shalt  }
0x40: {  	_ =	shalt  }
0x41: {  	_ =	shalt  }
0x42: {  	_ =	shalt  }
0x43: {  	_ =	shalt  }
0x44: {  	_ =	shalt  }
0x45: {  	_ =	shalt  }
0x46: {  	_ =	shalt  }
0x47: {  	_ =	shalt  }
0x48: {  	_ =	shalt  }
0x49: {  	_ =	shalt  }
0x4a: {  	_ =	shalt  }
0x4b: {  	_ =	shalt  }
0x4c: {  	_ =	shalt  }
0x4d: {  	_ =	shalt  }
0x4e: {  	_ =	shalt  }
0x4f: {  	_ =	shalt  }
0x50: {  	_ =	shalt  }
0x51: {  	_ =	shalt  }
0x52: {  	_ =	shalt  }
0x53: {  	_ =	shalt  }
0x54: {  	_ =	shalt  }
0x55: {  	_ =	shalt  }
0x56: {  	_ =	shalt  }
0x57: {  	_ =	shalt  }
0x58: {  	_ =	shalt  }
0x59: {  	_ =	shalt  }
0x5a: {  	_ =	shalt  }
0x5b: {  	_ =	shalt  }
0x5c: {  	_ =	shalt  }
0x5d: {  	_ =	shalt  }
0x5e: {  	_ =	shalt  }
0x5f: {  	_ =	shalt  }
0x60: {  	_ =	shalt  }
0x61: {  	_ =	shalt  }
0x62: {  	_ =	shalt  }
0x63: {  	_ =	shalt  }
0x64: {  	_ =	shalt  }
0x65: {  	_ =	shalt  }
0x66: {  	_ =	shalt  }
0x67: {  	_ =	shalt  }
0x68: {  	_ =	shalt  }
0x69: {  	_ =	shalt  }
0x6a: {  	_ =	shalt  }
0x6b: {  	_ =	shalt  }
0x6c: {  	_ =	shalt  }
0x6d: {  	_ =	shalt  }
0x6e: {  	_ =	shalt  }
0x6f: {  	_ =	shalt  }
0x70: {  	_ =	shalt  }
0x71: {  	_ =	shalt  }
0x72: {  	_ =	shalt  }
0x73: {  	_ =	shalt  }
0x74: {  	_ =	shalt  }
0x75: {  	_ =	shalt  }
0x76: {  	_ =	shalt  }
0x77: {  	_ =	shalt  }
0x78: {  	_ =	shalt  }
0x79: {  	_ =	shalt  }
0x7a: {  	_ =	shalt  }
0x7b: {  	_ =	shalt  }
0x7c: {  	_ =	shalt  }
0x7d: {  	_ =	shalt  }
0x7e: {  	_ =	shalt  }
0x7f: {  	_ =	shalt  }
0x80: {  	_ =	shalt  }
0x81: {  	_ =	shalt  }
0x82: {  	_ =	shalt  }
0x83: {  	_ =	shalt  }
0x84: {  	_ =	shalt  }
0x85: {  	_ =	shalt  }
0x86: {  	_ =	shalt  }
0x87: {  	_ =	shalt  }
.Lfunc_end0:
.L_simem_size_0:
called_computation.1_lowered:
.L_overlay_start_0:
0x88: {  	s2 =	sld [smem:$0x3FD9]  }
0x89: {  	s3 =	sld [smem:$0x3FFE];
	_ =	sdelay $0x1  }
0x8a: {  	s1 =	srdreg.scid  }
0x8b: {  	s0 =	sand.u32 $0x1, s1  }
0x8c: {  	s17 =	sshll.u32 s0, $0xA;
	s2 =	sadd.s32 s3, s2  }
0x8d: {  	s2 =	sadd.s32 s2, s17  }
0x8e: {  	[smem:$0x3FC0] =	sst s2  }
0x8f: {  	_ = 	snop  }
0x90: {  	s2 =	sld [smem:$0x3FD0];
	(tm) =	ssettm $0x1  }
0x91: {  	s18 =	sld [smem:$0x3FFB];
	_ =	sdelay $0x3  }
0x92: {  	_ =	strace s18  }
0x93: {  	s3 =	sld [smem:$0x3FFC];
	_ =	sdelay $0x3  }
0x94: {  	_ =	strace s3  }
0x95: {  	s3 =	sld [smem:$0x3FFD];
	_ =	sdelay $0x3  }
0x96: {  	_ =	strace s3  }
0x97: {  	_ =	strace $0x8FFFFFFF  }
0x98: {  	s19 =	sld [smem:$0x3FDB];
	_ =	sdelay $0x1  }
0x99: {  	s4 =	simm.s32 $_scs_section_size  }
0x9a: {  	s5 =	simm.s32 $_size__tile_overlayer_lowered;
	s6 =	simm.s32 $_tile_overlayer_lowered  }
0x9b: {  	s22 =	simm.s32 $0x1BFF;
	s21 =	sshll.u32 s6, $0x1;
	s3 =	sadd.s32 s4, s19  }
0x9c: {  	s7 =	simm.s32 $0x0;
	s20 =	sshll.u32 s5, $0x1;
	s5 =	sadd.s32 s21, s3  }
0x9d: {  	[timem:s7], [sflag:s22] =	dma.local [hbm:s5], s20  }
0x9e: {  	_ =	swait.ge [sflag:s22], s20  }
0x9f: {  	s4 =	ssub.s32 $0x0, s20;
	[sflag:s22] =	ssyncset.done $0x0  }
0xa0: {  	[sflag:s22] =	ssyncadd.s32 s4;
	_ =	sdelay $0x1  }
0xa1: {  	s23 =	simm.s32 $0x1B8B  }
0xa2: {  	_ =	swait.ge [sflag:s23], $0x1  }
0xa3: {  	[sflag:s23] =	ssyncset.done $0x0  }
0xa4: {  	s25 =	simm.s32 $0x1B8E;
	s24 =	sld [smem:$0x3FFE];
	[sflag:s23] =	ssyncadd.s32 $0xFFFFFFFF  }
0xa5: {  	s26 =	simm.s32 $execute0_lowered;
	[smem:$0x3FD2] =	sst s25  }
0xa6: {  	s5 =	sshll.u32 s26, $0x1;
	_ =	strace $0x80000049;
	[dreg:$0x1] =	wrdreg $0xFFFFFFFF  }
0xa7: {  	s28 =	simm.s32 $_size_execute0_lowered;
	s3 =	sadd.s32 s3, s5;
	[dreg:$0x0] =	wrdreg $0x0  }
0xa8: {  	s5 =	sshll.u32 s28, $0x1;
	[dreg:$0x2] =	wrdreg s3  }
0xa9: {  	[dreg:$0x3] =	wrdreg s5  }
0xaa: {  	[dreg:$0x4] =	wrdreg $0xC0  }
0xab: {  	_ =	task [dreg:s7], $0x5FFFF  }
0xac: {  	[dreg:$0x1] =	wrdreg $0xFFFFFFFF  }
0xad: {  	[dreg:$0x0] =	wrdreg $0x60  }
0xae: {  	[dreg:$0x2] =	wrdreg s24  }
0xaf: {  	[dreg:$0x3] =	wrdreg s2  }
0xb0: {  	[dreg:$0x4] =	wrdreg $0x98000  }
0xb1: {  	[dreg:$0x5] =	wrdreg $0x9  }
0xb2: {  	_ =	task.clear_ibuf [dreg:s7], $0x6FFFF;
	_ =	strace $0x90000049  }
0xb3: {  	s29 =	simm.s32 $0x9;
	_ =	strace $0x8000004B  }
0xb4: {  	_ =	swait.ge [sflag:s29], $0x1  }
0xb5: {  	[sflag:s29] =	ssyncadd.s32 $0xFFFFFFFF  }
0xb6: {  	_ =	strace $0x9000004B  }
0xb7: {  	_ =	sfence  }
0xb8: {  	s30 =	sld [smem:$0x0];
	_ =	sdelay $0x2  }
0xb9: {  	s31 =	sshll.u32 s1, $0xD;
	s1 =	sshrl.u32 s1, $0x2  }
0xba: {  	s3 =	sand.u32 $0x4000, s31;
	s1 =	sadd.s32 s1, s30  }
0xbb: {  	s0 =	sor.u32 s3, s0;
	s1 =	sshll.u32 s1, $0x11  }
0xbc: {  	s0 =	sor.u32 s1, s0  }
0xbd: {  	s0 =	sadd.s32 $0x8F2B, s0  }
0xbe: {  	[sflag:s0] =	ssyncadd.remote.s32 $0x1  }
0xbf: {  	_ =	sfence.sel $0xFFFF  }
0xc0: {  	[dreg:$0x0] =	wrdreg $0xFFFFFFFF;
	(pc) =	sbr.abs _section_cstart, $3  }
0xc1: {  	[dreg:$0x1] =	wrdreg $0xFFFFFFFF  }
0xc2: {  	_ =	task.clear_ibuf [dreg:s7], $0x2FFFF;
	_ =	strace $0x9FFFFFFF  }
0xc3: {  	(tm) =	ssettm $0x7FFFFFFF  }
tec
execute0_lowered:
.L_overlay_start_1:
0x0: {  	(tag) =	ssettag $0x1  }
0x1: {  	s0 =	rddreg [dreg:$0x0];
	s1 =	srdreg.scid  }
0x2: {  	s5 =	rddreg [dreg:$0x1];
	s9 =	stileid.u32  }
0x3: {  	s2 =	rddreg [dreg:$0x2];
	s3 =	simm.s32 $0x0;
	s13 =	simm.s32 $0x100  }
0x4: {  	s14 =	simm.s32 $0x880;
	s15 =	simm.s32 $0x180;
	s16 =	simm.s32 $0x900  }
0x5: {  	s17 =	simm.s32 $0x200;
	s18 =	simm.s32 $0x980;
	[smem:$0x7FF] =	sst s3  }
0x6: {  	s19 =	simm.s32 $0x280;
	_ =	strace $0x8000004A;
	[dreg:$0x6] =	wrdreg s13  }
0x7: {  	s20 =	simm.s32 $0xA00;
	s21 =	simm.s32 $0x300;
	[dreg:$0x7] =	wrdreg s14  }
0x8: {  	s22 =	simm.s32 $0xA80;
	s23 =	simm.s32 $0x380;
	[dreg:$0x8] =	wrdreg s15  }
0x9: {  	s24 =	simm.s32 $0xB00;
	s25 =	simm.s32 $0x400;
	[dreg:$0x9] =	wrdreg s16  }
0xa: {  	s28 =	simm.s32 $0xE00;
	s29 =	simm.s32 $0x700;
	[dreg:$0xa] =	wrdreg s17  }
0xb: {  	s30 =	simm.s32 $0xE80;
	s6 =	smul.u32 $0x2800, s9;
	[dreg:$0xb] =	wrdreg s18  }
0xc: {  	s31 =	simm.s32 $0x780;
	s8 =	smul.u32 $0x14000, s9;
	[dreg:$0xc] =	wrdreg s19  }
0xd: {  	s1 =	sand.u32 $0x1, s1;
	s11 =	smul.u32 $0x50000, s9;
	[dreg:$0xd] =	wrdreg s20  }
0xe: {  	s9 =	simm.s32 $0x5;
	s4 =	smul.u32 $0x28000, s1;
	[dreg:$0xe] =	wrdreg s21  }
0xf: {  	s7 =	smul.u32 $0x140000, s1;
	s1 =	ssub.s32 $0x2, s1;
	[dreg:$0xf] =	wrdreg s22  }
0x10: {  	s13 =	simm.s32 $0x5000;
	s14 =	simm.s32 $0x1;
	[dreg:$0x10] =	wrdreg s23  }
0x11: {  	s15 =	simm.s32 $0x3;
	[dreg:$0x11] =	wrdreg s24;
	s16 =	simm.s32 $0x2  }
0x12: {  	[dreg:$0x12] =	wrdreg s25;
	s17 =	simm.s32 $0x4;
	s18 =	simm.s32 $0x480  }
0x13: {  	s19 =	simm.s32 $0xC00;
	s20 =	simm.s32 $0x500;
	s21 =	simm.s32 $0xC80  }
0x14: {  	s22 =	simm.s32 $0x580;
	s23 =	simm.s32 $0xD00;
	s24 =	simm.s32 $0x600  }
0x15: {  	s25 =	simm.s32 $0xD80;
	s10 =	sshrl.u32 s1, $0x1;
	s6 =	sadd.s32 s6, s4  }
0x16: {  	s4 =	sadd.s32 $0x16200, s0;
	s7 =	sadd.s32 s8, s7;
	s1 =	ssub.s32 s1, s10  }
0x17: {  	s8 =	simm.s32 $0x9000;
	s10 =	simm.s32 $0x800;
	s6 =	sshrl.u32 s6, $0x3  }
0x18: {  	s7 =	sshrl.u32 s7, $0x3;
	s1 =	smax.u32 s1, $0x1;
	s26 =	sadd.s32 s6, s0  }
0x19: {  	s0 =	sadd.s32 s7, s0;
	s5 =	sadd.s32 s6, s5;
	s6 =	sshrl.u32 s11, $0x2  }
0x1a: {  	[dreg:$0x15] =	wrdreg s1;
	s11 =	simm.s32 $0x80;
	s1 =	simm.s32 $0xF00  }
0x1b: {  	s7 =	simm.s32 $0x0;
	[dreg:$0x4] =	wrdreg s5;
	s12 =	sadd.s32 $0xC200, s26  }
0x1c: {  	s5 =	sadd.s32 s6, s2;
	s0 =	sadd.s32 $0x3E200, s0;
	[dreg:$0x5] =	wrdreg s12  }
0x1d: {  	s26 =	simm.s32 $0xB80;
	[dreg:$0x14] =	wrdreg s0;
	s12 =	simm.s32 $0x1000  }
0x1e: {  	v0 =	vimm.f32 $0.0e+00;
	[dreg:$0x13] =	wrdreg s26;
	s26 =	simm.s32 $0x680;
	s0 =	simm.s32 $0xF80  }
.LBB2_1:
0x1f: {  	[dreg:$0x16] =	wrdreg s7;
	s6 =	simm.s32 $0x0;
	s7 =	simm.s32 $0x200  }
.LBB2_2:
0x20: {  	p0 =	sne.s32 s7, $0x1E00;
	[tilespmem:s6+$0x9070] =	vst v0  }
0x21: {  	[tilespmem:s6+$0x9000] =	vst v0  }
0x22: {  	[tilespmem:s6+$0x9010] =	vst v0  }
.Ltmp0:
0x23: {  	[tilespmem:s6+$0x9020] =	vst v0;
	(pc) =	sbr.rel @p0 .LBB2_2-.Ltmp0, $4  }
0x24: {  	[tilespmem:s6+$0x9030] =	vst v0  }
0x25: {  	[tilespmem:s6+$0x9040] =	vst v0  }
0x26: {  	[tilespmem:s6+$0x9050] =	vst v0  }
0x27: {  	[tilespmem:s6+$0x9060] =	vst v0;
	s6 =	sshra.s32 s7, $0x2;
	s7 =	sadd.s32 $0x200, s7  }
0x28: {  	[tilespmem:s6+$0x9070] =	vst v0  }
0x29: {  	[tilespmem:s6+$0x9000] =	vst v0  }
0x2a: {  	[tilespmem:s6+$0x9010] =	vst v0  }
0x2b: {  	[tilespmem:s6+$0x9020] =	vst v0  }
0x2c: {  	[tilespmem:s6+$0x9030] =	vst v0  }
0x2d: {  	[tilespmem:s6+$0x9040] =	vst v0  }
0x2e: {  	[tilespmem:s6+$0x9050] =	vst v0  }
0x2f: {  	[tilespmem:s6+$0x9060] =	vst v0;
	s7 =	sadd.s32 $0x0, s5  }
0x30: {  	[spmem:s7] =	stream.linear.scatter [tilespmem:s8], [sflag:$0x5], $0x800, $0x38;
	[tilespmem:$0x1D800] =	vst v63  }
0x31: {  	s6 =	simm.s32 $0x2000;
	_ =	swait.ge [sflag:s9], $0x800  }
.LBB2_4:
0x32: {  	s7 =	sshra.s32 s6, $0x2;
	[sflag:s9] =	ssyncset.done $0x0;
	p0 =	sne.s32 s6, $0x4E000  }
.Ltmp1:
0x33: {  	s7 =	sadd.s32 s7, s5;
	[sflag:s9] =	ssyncadd.s32 $0xFFFFF800;
	(pc) =	sbr.rel @p0 .LBB2_4-.Ltmp1, $3  }
0x34: {  	[spmem:s7] =	stream.linear.scatter [tilespmem:s8], [sflag:$0x5], $0x800, $0x38;
	[tilespmem:$0x1D800] =	vst v63  }
0x35: {  	s6 =	sadd.s32 $0x2000, s6;
	_ =	sdelay $0x1  }
0x36: {  	_ =	swait.ge [sflag:s9], $0x800  }
0x37: {  	[sflag:s9] =	ssyncset.done $0x0  }
0x38: {  	[sflag:s9] =	ssyncadd.s32 $0xFFFFF800  }
0x39: {  	[bflag:$0x0] =	sbarrier.arrive $0xFFFF  }
0x3a: {  	s6 =	rddreg [dreg:$0x5]  }
0x3b: {  	s6 =	sadd.s32 $0x0, s6  }
0x3c: {  	[tilespmem:s3], [sflag:$0x5] =	stream.linear.gather [hbm4b:s6+s3], $0x800, $0x38;
	[tilespmem:$0x1D800] =	vst v63  }
0x3d: {  	_ =	swait.ge [sflag:s9], $0x800  }
0x3e: {  	s8 =	rddreg [dreg:$0x4];
	[sflag:s9] =	ssyncset.done $0x0  }
0x3f: {  	[sflag:s9] =	ssyncadd.s32 $0xFFFFF800;
	s6 =	sadd.s32 $0x0, s8  }
0x40: {  	[tilespmem:s10], [sflag:$0x5] =	stream.linear.gather [hbm4b:s6+s3], $0x800, $0x38;
	[tilespmem:$0x1D800] =	vst v63  }
0x41: {  	_ =	swait.ge [sflag:s9], $0x800  }
0x42: {  	[sflag:s9] =	ssyncset.done $0x0  }
0x43: {  	[sflag:s9] =	ssyncadd.s32 $0xFFFFF800  }
0x44: {  	[tilespmem:s12], [sflag:$0x1] =	stream.indirect.gather [hbm4b:s4+s11], $0x80, s3, s11, $0xb8;
	[tilespmem:$0x1D800] =	vst v63  }
0x45: {  	_ = 	snop  }
0x46: {  	[tilespmem:s13], [sflag:$0x2] =	stream.indirect.gather [hbm4b:s4+s11], $0x80, s11, s11, $0xb8;
	[tilespmem:$0x1D800] =	vst v63  }
0x47: {  	_ =	swait.ge [sflag:s14], $0x4000  }
0x48: {  	[sflag:s14] =	ssyncset.done $0x0  }
0x49: {  	[sflag:s14] =	ssyncadd.s32 $0xFFFFC000  }
0x4a: {  	[spmem:s2] =	stream.indirect.scatter.add.f32 [tilespmem:s12], [sflag:$0x3], $0x80, s10, s11, $0xb8;
	[tilespmem:$0x1D800] =	vst v63  }
0x4b: {  	_ =	swait.ge [sflag:s15], $0x4000  }
0x4c: {  	[sflag:s15] =	ssyncset.done $0x0  }
0x4d: {  	s7 =	rddreg [dreg:$0x6];
	[sflag:s15] =	ssyncadd.s32 $0xFFFFC000  }
0x4e: {  	[tilespmem:s12], [sflag:$0x1] =	stream.indirect.gather [hbm4b:s4+s11], $0x80, s7, s11, $0xb8;
	[tilespmem:$0x1D800] =	vst v63  }
0x4f: {  	_ =	swait.ge [sflag:s16], $0x4000  }
0x50: {  	[sflag:s16] =	ssyncset.done $0x0  }
0x51: {  	s8 =	rddreg [dreg:$0x7];
	[sflag:s16] =	ssyncadd.s32 $0xFFFFC000  }
0x52: {  	[spmem:s2] =	stream.indirect.scatter.add.f32 [tilespmem:s13], [sflag:$0x4], $0x80, s8, s11, $0xb8;
	[tilespmem:$0x1D800] =	vst v63  }
0x53: {  	_ =	swait.ge [sflag:s17], $0x4000  }
0x54: {  	[sflag:s17] =	ssyncset.done $0x0  }
0x55: {  	s7 =	rddreg [dreg:$0x8];
	[sflag:s17] =	ssyncadd.s32 $0xFFFFC000  }
0x56: {  	[tilespmem:s13], [sflag:$0x2] =	stream.indirect.gather [hbm4b:s4+s11], $0x80, s7, s11, $0xb8;
	[tilespmem:$0x1D800] =	vst v63  }
0x57: {  	_ =	swait.ge [sflag:s14], $0x4000  }
0x58: {  	[sflag:s14] =	ssyncset.done $0x0  }
0x59: {  	s8 =	rddreg [dreg:$0x9];
	[sflag:s14] =	ssyncadd.s32 $0xFFFFC000  }
0x5a: {  	[spmem:s2] =	stream.indirect.scatter.add.f32 [tilespmem:s12], [sflag:$0x3], $0x80, s8, s11, $0xb8;
	[tilespmem:$0x1D800] =	vst v63  }
0x5b: {  	_ =	swait.ge [sflag:s15], $0x4000  }
0x5c: {  	[sflag:s15] =	ssyncset.done $0x0  }
0x5d: {  	s7 =	rddreg [dreg:$0xa];
	[sflag:s15] =	ssyncadd.s32 $0xFFFFC000  }
0x5e: {  	[tilespmem:s12], [sflag:$0x1] =	stream.indirect.gather [hbm4b:s4+s11], $0x80, s7, s11, $0xb8;
	[tilespmem:$0x1D800] =	vst v63  }
0x5f: {  	_ =	swait.ge [sflag:s16], $0x4000  }
0x60: {  	[sflag:s16] =	ssyncset.done $0x0  }
0x61: {  	s8 =	rddreg [dreg:$0xb];
	[sflag:s16] =	ssyncadd.s32 $0xFFFFC000  }
0x62: {  	[spmem:s2] =	stream.indirect.scatter.add.f32 [tilespmem:s13], [sflag:$0x4], $0x80, s8, s11, $0xb8;
	[tilespmem:$0x1D800] =	vst v63  }
0x63: {  	_ =	swait.ge [sflag:s17], $0x4000  }
0x64: {  	[sflag:s17] =	ssyncset.done $0x0  }
0x65: {  	s7 =	rddreg [dreg:$0xc];
	[sflag:s17] =	ssyncadd.s32 $0xFFFFC000  }
0x66: {  	[tilespmem:s13], [sflag:$0x2] =	stream.indirect.gather [hbm4b:s4+s11], $0x80, s7, s11, $0xb8;
	[tilespmem:$0x1D800] =	vst v63  }
0x67: {  	_ =	swait.ge [sflag:s14], $0x4000  }
0x68: {  	[sflag:s14] =	ssyncset.done $0x0  }
0x69: {  	s8 =	rddreg [dreg:$0xd];
	[sflag:s14] =	ssyncadd.s32 $0xFFFFC000  }
0x6a: {  	[spmem:s2] =	stream.indirect.scatter.add.f32 [tilespmem:s12], [sflag:$0x3], $0x80, s8, s11, $0xb8;
	[tilespmem:$0x1D800] =	vst v63  }
0x6b: {  	_ =	swait.ge [sflag:s15], $0x4000  }
0x6c: {  	[sflag:s15] =	ssyncset.done $0x0  }
0x6d: {  	s7 =	rddreg [dreg:$0xe];
	[sflag:s15] =	ssyncadd.s32 $0xFFFFC000  }
0x6e: {  	[tilespmem:s12], [sflag:$0x1] =	stream.indirect.gather [hbm4b:s4+s11], $0x80, s7, s11, $0xb8;
	[tilespmem:$0x1D800] =	vst v63  }
0x6f: {  	_ =	swait.ge [sflag:s16], $0x4000  }
0x70: {  	[sflag:s16] =	ssyncset.done $0x0  }
0x71: {  	s8 =	rddreg [dreg:$0xf];
	[sflag:s16] =	ssyncadd.s32 $0xFFFFC000  }
0x72: {  	[spmem:s2] =	stream.indirect.scatter.add.f32 [tilespmem:s13], [sflag:$0x4], $0x80, s8, s11, $0xb8;
	[tilespmem:$0x1D800] =	vst v63  }
0x73: {  	_ =	swait.ge [sflag:s17], $0x4000  }
0x74: {  	[sflag:s17] =	ssyncset.done $0x0  }
0x75: {  	s7 =	rddreg [dreg:$0x10];
	[sflag:s17] =	ssyncadd.s32 $0xFFFFC000  }
0x76: {  	[tilespmem:s13], [sflag:$0x2] =	stream.indirect.gather [hbm4b:s4+s11], $0x80, s7, s11, $0xb8;
	[tilespmem:$0x1D800] =	vst v63  }
0x77: {  	_ =	swait.ge [sflag:s14], $0x4000  }
0x78: {  	[sflag:s14] =	ssyncset.done $0x0  }
0x79: {  	s8 =	rddreg [dreg:$0x11];
	[sflag:s14] =	ssyncadd.s32 $0xFFFFC000  }
0x7a: {  	[spmem:s2] =	stream.indirect.scatter.add.f32 [tilespmem:s12], [sflag:$0x3], $0x80, s8, s11, $0xb8;
	[tilespmem:$0x1D800] =	vst v63  }
0x7b: {  	_ =	swait.ge [sflag:s15], $0x4000  }
0x7c: {  	[sflag:s15] =	ssyncset.done $0x0  }
0x7d: {  	s7 =	rddreg [dreg:$0x12];
	[sflag:s15] =	ssyncadd.s32 $0xFFFFC000  }
0x7e: {  	[tilespmem:s12], [sflag:$0x1] =	stream.indirect.gather [hbm4b:s4+s11], $0x80, s7, s11, $0xb8;
	[tilespmem:$0x1D800] =	vst v63  }
0x7f: {  	_ =	swait.ge [sflag:s16], $0x4000  }
0x80: {  	[sflag:s16] =	ssyncset.done $0x0  }
0x81: {  	s8 =	rddreg [dreg:$0x13];
	[sflag:s16] =	ssyncadd.s32 $0xFFFFC000  }
0x82: {  	[spmem:s2] =	stream.indirect.scatter.add.f32 [tilespmem:s13], [sflag:$0x4], $0x80, s8, s11, $0xb8;
	[tilespmem:$0x1D800] =	vst v63  }
0x83: {  	_ =	swait.ge [sflag:s17], $0x4000  }
0x84: {  	[sflag:s17] =	ssyncset.done $0x0  }
0x85: {  	[sflag:s17] =	ssyncadd.s32 $0xFFFFC000  }
0x86: {  	[tilespmem:s13], [sflag:$0x2] =	stream.indirect.gather [hbm4b:s4+s11], $0x80, s18, s11, $0xb8;
	[tilespmem:$0x1D800] =	vst v63  }
0x87: {  	_ =	swait.ge [sflag:s14], $0x4000  }
0x88: {  	[sflag:s14] =	ssyncset.done $0x0  }
0x89: {  	[sflag:s14] =	ssyncadd.s32 $0xFFFFC000  }
0x8a: {  	[spmem:s2] =	stream.indirect.scatter.add.f32 [tilespmem:s12], [sflag:$0x3], $0x80, s19, s11, $0xb8;
	[tilespmem:$0x1D800] =	vst v63  }
0x8b: {  	_ =	swait.ge [sflag:s15], $0x4000  }
0x8c: {  	[sflag:s15] =	ssyncset.done $0x0  }
0x8d: {  	[sflag:s15] =	ssyncadd.s32 $0xFFFFC000  }
0x8e: {  	[tilespmem:s12], [sflag:$0x1] =	stream.indirect.gather [hbm4b:s4+s11], $0x80, s20, s11, $0xb8;
	[tilespmem:$0x1D800] =	vst v63  }
0x8f: {  	_ =	swait.ge [sflag:s16], $0x4000  }
0x90: {  	[sflag:s16] =	ssyncset.done $0x0  }
0x91: {  	[sflag:s16] =	ssyncadd.s32 $0xFFFFC000  }
0x92: {  	[spmem:s2] =	stream.indirect.scatter.add.f32 [tilespmem:s13], [sflag:$0x4], $0x80, s21, s11, $0xb8;
	[tilespmem:$0x1D800] =	vst v63  }
0x93: {  	_ =	swait.ge [sflag:s17], $0x4000  }
0x94: {  	[sflag:s17] =	ssyncset.done $0x0  }
0x95: {  	[sflag:s17] =	ssyncadd.s32 $0xFFFFC000  }
0x96: {  	[tilespmem:s13], [sflag:$0x2] =	stream.indirect.gather [hbm4b:s4+s11], $0x80, s22, s11, $0xb8;
	[tilespmem:$0x1D800] =	vst v63  }
0x97: {  	_ =	swait.ge [sflag:s14], $0x4000  }
0x98: {  	[sflag:s14] =	ssyncset.done $0x0  }
0x99: {  	[sflag:s14] =	ssyncadd.s32 $0xFFFFC000  }
0x9a: {  	[spmem:s2] =	stream.indirect.scatter.add.f32 [tilespmem:s12], [sflag:$0x3], $0x80, s23, s11, $0xb8;
	[tilespmem:$0x1D800] =	vst v63  }
0x9b: {  	_ =	swait.ge [sflag:s15], $0x4000  }
0x9c: {  	[sflag:s15] =	ssyncset.done $0x0  }
0x9d: {  	[sflag:s15] =	ssyncadd.s32 $0xFFFFC000  }
0x9e: {  	[tilespmem:s12], [sflag:$0x1] =	stream.indirect.gather [hbm4b:s4+s11], $0x80, s24, s11, $0xb8;
	[tilespmem:$0x1D800] =	vst v63  }
0x9f: {  	_ =	swait.ge [sflag:s16], $0x4000  }
0xa0: {  	[sflag:s16] =	ssyncset.done $0x0  }
0xa1: {  	[sflag:s16] =	ssyncadd.s32 $0xFFFFC000  }
0xa2: {  	[spmem:s2] =	stream.indirect.scatter.add.f32 [tilespmem:s13], [sflag:$0x4], $0x80, s25, s11, $0xb8;
	[tilespmem:$0x1D800] =	vst v63  }
0xa3: {  	_ =	swait.ge [sflag:s17], $0x4000  }
0xa4: {  	[sflag:s17] =	ssyncset.done $0x0  }
0xa5: {  	[sflag:s17] =	ssyncadd.s32 $0xFFFFC000  }
0xa6: {  	[tilespmem:s13], [sflag:$0x2] =	stream.indirect.gather [hbm4b:s4+s11], $0x80, s26, s11, $0xb8;
	[tilespmem:$0x1D800] =	vst v63  }
0xa7: {  	_ =	swait.ge [sflag:s14], $0x4000  }
0xa8: {  	[sflag:s14] =	ssyncset.done $0x0  }
0xa9: {  	[sflag:s14] =	ssyncadd.s32 $0xFFFFC000  }
0xaa: {  	[spmem:s2] =	stream.indirect.scatter.add.f32 [tilespmem:s12], [sflag:$0x3], $0x80, s28, s11, $0xb8;
	[tilespmem:$0x1D800] =	vst v63  }
0xab: {  	_ =	swait.ge [sflag:s15], $0x4000  }
0xac: {  	[sflag:s15] =	ssyncset.done $0x0  }
0xad: {  	[sflag:s15] =	ssyncadd.s32 $0xFFFFC000  }
0xae: {  	[tilespmem:s12], [sflag:$0x1] =	stream.indirect.gather [hbm4b:s4+s11], $0x80, s29, s11, $0xb8;
	[tilespmem:$0x1D800] =	vst v63  }
0xaf: {  	_ =	swait.ge [sflag:s16], $0x4000  }
0xb0: {  	[sflag:s16] =	ssyncset.done $0x0  }
0xb1: {  	[sflag:s16] =	ssyncadd.s32 $0xFFFFC000  }
0xb2: {  	[spmem:s2] =	stream.indirect.scatter.add.f32 [tilespmem:s13], [sflag:$0x4], $0x80, s30, s11, $0xb8;
	[tilespmem:$0x1D800] =	vst v63  }
0xb3: {  	_ =	swait.ge [sflag:s17], $0x4000  }
0xb4: {  	[sflag:s17] =	ssyncset.done $0x0  }
0xb5: {  	[sflag:s17] =	ssyncadd.s32 $0xFFFFC000  }
0xb6: {  	[tilespmem:s13], [sflag:$0x2] =	stream.indirect.gather [hbm4b:s4+s11], $0x80, s31, s11, $0xb8;
	[tilespmem:$0x1D800] =	vst v63  }
0xb7: {  	_ =	swait.ge [sflag:s14], $0x4000  }
0xb8: {  	[sflag:s14] =	ssyncset.done $0x0  }
0xb9: {  	[sflag:s14] =	ssyncadd.s32 $0xFFFFC000  }
0xba: {  	[spmem:s2] =	stream.indirect.scatter.add.f32 [tilespmem:s12], [sflag:$0x3], $0x80, s1, s11, $0xb8;
	[tilespmem:$0x1D800] =	vst v63  }
0xbb: {  	_ =	swait.ge [sflag:s16], $0x4000  }
0xbc: {  	[sflag:s16] =	ssyncset.done $0x0  }
0xbd: {  	[sflag:s16] =	ssyncadd.s32 $0xFFFFC000  }
0xbe: {  	[spmem:s2] =	stream.indirect.scatter.add.f32 [tilespmem:s13], [sflag:$0x4], $0x80, s0, s11, $0xb8;
	[tilespmem:$0x1D800] =	vst v63  }
0xbf: {  	_ =	swait.ge [sflag:s15], $0x4000  }
0xc0: {  	[sflag:s15] =	ssyncset.done $0x0  }
0xc1: {  	[sflag:s15] =	ssyncadd.s32 $0xFFFFC000  }
0xc2: {  	s6 =	simm.s32 $0x200;
	_ =	swait.ge [sflag:s17], $0x4000  }
0xc3: {  	s7 =	simm.s32 $0x100;
	s8 =	rddreg [dreg:$0x5];
	[sflag:s17] =	ssyncset.done $0x0  }
.LBB2_6:
0xc4: {  	[sflag:s17] =	ssyncadd.s32 $0xFFFFC000;
	s8 =	sadd.s32 s7, s8  }
0xc5: {  	[tilespmem:s3], [sflag:$0x5] =	stream.linear.gather [hbm4b:s8+s3], $0x800, $0x38;
	[tilespmem:$0x1D800] =	vst v63  }
0xc6: {  	_ =	swait.ge [sflag:s9], $0x800  }
0xc7: {  	s8 =	rddreg [dreg:$0x4];
	[sflag:s9] =	ssyncset.done $0x0  }
0xc8: {  	[sflag:s9] =	ssyncadd.s32 $0xFFFFF800;
	s8 =	sadd.s32 s7, s8  }
0xc9: {  	[tilespmem:s10], [sflag:$0x5] =	stream.linear.gather [hbm4b:s8+s3], $0x800, $0x38;
	[tilespmem:$0x1D800] =	vst v63  }
0xca: {  	_ =	swait.ge [sflag:s9], $0x800  }
0xcb: {  	[sflag:s9] =	ssyncset.done $0x0  }
0xcc: {  	[sflag:s9] =	ssyncadd.s32 $0xFFFFF800  }
0xcd: {  	[tilespmem:s12], [sflag:$0x1] =	stream.indirect.gather [hbm4b:s4+s11], $0x80, s3, s11, $0xb8;
	[tilespmem:$0x1D800] =	vst v63  }
0xce: {  	_ = 	snop  }
0xcf: {  	[tilespmem:s13], [sflag:$0x2] =	stream.indirect.gather [hbm4b:s4+s11], $0x80, s11, s11, $0xb8;
	[tilespmem:$0x1D800] =	vst v63  }
0xd0: {  	_ =	swait.ge [sflag:s14], $0x4000  }
0xd1: {  	[sflag:s14] =	ssyncset.done $0x0  }
0xd2: {  	[sflag:s14] =	ssyncadd.s32 $0xFFFFC000  }
0xd3: {  	[spmem:s2] =	stream.indirect.scatter.add.f32 [tilespmem:s12], [sflag:$0x3], $0x80, s10, s11, $0xb8;
	[tilespmem:$0x1D800] =	vst v63  }
0xd4: {  	_ =	swait.ge [sflag:s15], $0x4000  }
0xd5: {  	[sflag:s15] =	ssyncset.done $0x0  }
0xd6: {  	s8 =	rddreg [dreg:$0x6];
	[sflag:s15] =	ssyncadd.s32 $0xFFFFC000  }
0xd7: {  	[tilespmem:s12], [sflag:$0x1] =	stream.indirect.gather [hbm4b:s4+s11], $0x80, s8, s11, $0xb8;
	[tilespmem:$0x1D800] =	vst v63  }
0xd8: {  	_ =	swait.ge [sflag:s16], $0x4000  }
0xd9: {  	[sflag:s16] =	ssyncset.done $0x0  }
0xda: {  	s8 =	rddreg [dreg:$0x7];
	[sflag:s16] =	ssyncadd.s32 $0xFFFFC000  }
0xdb: {  	[spmem:s2] =	stream.indirect.scatter.add.f32 [tilespmem:s13], [sflag:$0x4], $0x80, s8, s11, $0xb8;
	[tilespmem:$0x1D800] =	vst v63  }
0xdc: {  	_ =	swait.ge [sflag:s17], $0x4000  }
0xdd: {  	[sflag:s17] =	ssyncset.done $0x0  }
0xde: {  	s8 =	rddreg [dreg:$0x8];
	[sflag:s17] =	ssyncadd.s32 $0xFFFFC000  }
0xdf: {  	[tilespmem:s13], [sflag:$0x2] =	stream.indirect.gather [hbm4b:s4+s11], $0x80, s8, s11, $0xb8;
	[tilespmem:$0x1D800] =	vst v63  }
0xe0: {  	_ =	swait.ge [sflag:s14], $0x4000  }
0xe1: {  	[sflag:s14] =	ssyncset.done $0x0  }
0xe2: {  	s8 =	rddreg [dreg:$0x9];
	[sflag:s14] =	ssyncadd.s32 $0xFFFFC000  }
0xe3: {  	[spmem:s2] =	stream.indirect.scatter.add.f32 [tilespmem:s12], [sflag:$0x3], $0x80, s8, s11, $0xb8;
	[tilespmem:$0x1D800] =	vst v63  }
0xe4: {  	_ =	swait.ge [sflag:s15], $0x4000  }
0xe5: {  	[sflag:s15] =	ssyncset.done $0x0  }
0xe6: {  	s8 =	rddreg [dreg:$0xa];
	[sflag:s15] =	ssyncadd.s32 $0xFFFFC000  }
0xe7: {  	[tilespmem:s12], [sflag:$0x1] =	stream.indirect.gather [hbm4b:s4+s11], $0x80, s8, s11, $0xb8;
	[tilespmem:$0x1D800] =	vst v63  }
0xe8: {  	_ =	swait.ge [sflag:s16], $0x4000  }
0xe9: {  	[sflag:s16] =	ssyncset.done $0x0  }
0xea: {  	s8 =	rddreg [dreg:$0xb];
	[sflag:s16] =	ssyncadd.s32 $0xFFFFC000  }
0xeb: {  	[spmem:s2] =	stream.indirect.scatter.add.f32 [tilespmem:s13], [sflag:$0x4], $0x80, s8, s11, $0xb8;
	[tilespmem:$0x1D800] =	vst v63  }
0xec: {  	_ =	swait.ge [sflag:s17], $0x4000  }
0xed: {  	[sflag:s17] =	ssyncset.done $0x0  }
0xee: {  	s8 =	rddreg [dreg:$0xc];
	[sflag:s17] =	ssyncadd.s32 $0xFFFFC000  }
0xef: {  	[tilespmem:s13], [sflag:$0x2] =	stream.indirect.gather [hbm4b:s4+s11], $0x80, s8, s11, $0xb8;
	[tilespmem:$0x1D800] =	vst v63  }
0xf0: {  	_ =	swait.ge [sflag:s14], $0x4000  }
0xf1: {  	[sflag:s14] =	ssyncset.done $0x0  }
0xf2: {  	s8 =	rddreg [dreg:$0xd];
	[sflag:s14] =	ssyncadd.s32 $0xFFFFC000  }
0xf3: {  	[spmem:s2] =	stream.indirect.scatter.add.f32 [tilespmem:s12], [sflag:$0x3], $0x80, s8, s11, $0xb8;
	[tilespmem:$0x1D800] =	vst v63  }
0xf4: {  	_ =	swait.ge [sflag:s15], $0x4000  }
0xf5: {  	[sflag:s15] =	ssyncset.done $0x0  }
0xf6: {  	s8 =	rddreg [dreg:$0xe];
	[sflag:s15] =	ssyncadd.s32 $0xFFFFC000  }
0xf7: {  	[tilespmem:s12], [sflag:$0x1] =	stream.indirect.gather [hbm4b:s4+s11], $0x80, s8, s11, $0xb8;
	[tilespmem:$0x1D800] =	vst v63  }
0xf8: {  	_ =	swait.ge [sflag:s16], $0x4000  }
0xf9: {  	[sflag:s16] =	ssyncset.done $0x0  }
0xfa: {  	s8 =	rddreg [dreg:$0xf];
	[sflag:s16] =	ssyncadd.s32 $0xFFFFC000  }
0xfb: {  	[spmem:s2] =	stream.indirect.scatter.add.f32 [tilespmem:s13], [sflag:$0x4], $0x80, s8, s11, $0xb8;
	[tilespmem:$0x1D800] =	vst v63  }
0xfc: {  	_ =	swait.ge [sflag:s17], $0x4000  }
0xfd: {  	[sflag:s17] =	ssyncset.done $0x0  }
0xfe: {  	s8 =	rddreg [dreg:$0x10];
	[sflag:s17] =	ssyncadd.s32 $0xFFFFC000  }
0xff: {  	[tilespmem:s13], [sflag:$0x2] =	stream.indirect.gather [hbm4b:s4+s11], $0x80, s8, s11, $0xb8;
	[tilespmem:$0x1D800] =	vst v63  }
0x100: {  	_ =	swait.ge [sflag:s14], $0x4000  }
0x101: {  	[sflag:s14] =	ssyncset.done $0x0  }
0x102: {  	s8 =	rddreg [dreg:$0x11];
	[sflag:s14] =	ssyncadd.s32 $0xFFFFC000  }
0x103: {  	[spmem:s2] =	stream.indirect.scatter.add.f32 [tilespmem:s12], [sflag:$0x3], $0x80, s8, s11, $0xb8;
	[tilespmem:$0x1D800] =	vst v63  }
0x104: {  	_ =	swait.ge [sflag:s15], $0x4000  }
0x105: {  	[sflag:s15] =	ssyncset.done $0x0  }
0x106: {  	s8 =	rddreg [dreg:$0x12];
	[sflag:s15] =	ssyncadd.s32 $0xFFFFC000  }
0x107: {  	[tilespmem:s12], [sflag:$0x1] =	stream.indirect.gather [hbm4b:s4+s11], $0x80, s8, s11, $0xb8;
	[tilespmem:$0x1D800] =	vst v63  }
0x108: {  	_ =	swait.ge [sflag:s16], $0x4000  }
0x109: {  	[sflag:s16] =	ssyncset.done $0x0  }
0x10a: {  	s8 =	rddreg [dreg:$0x13];
	[sflag:s16] =	ssyncadd.s32 $0xFFFFC000  }
0x10b: {  	[spmem:s2] =	stream.indirect.scatter.add.f32 [tilespmem:s13], [sflag:$0x4], $0x80, s8, s11, $0xb8;
	[tilespmem:$0x1D800] =	vst v63  }
0x10c: {  	_ =	swait.ge [sflag:s17], $0x4000  }
0x10d: {  	s18 =	smov.u32 s6;
	[sflag:s17] =	ssyncset.done $0x0  }
0x10e: {  	s7 =	smov.u32 s18;
	s18 =	simm.s32 $0x480;
	[sflag:s17] =	ssyncadd.s32 $0xFFFFC000  }
0x10f: {  	[tilespmem:s13], [sflag:$0x2] =	stream.indirect.gather [hbm4b:s4+s11], $0x80, s18, s11, $0xb8;
	[tilespmem:$0x1D800] =	vst v63  }
0x110: {  	_ =	swait.ge [sflag:s14], $0x4000  }
0x111: {  	[sflag:s14] =	ssyncset.done $0x0  }
0x112: {  	[sflag:s14] =	ssyncadd.s32 $0xFFFFC000  }
0x113: {  	[spmem:s2] =	stream.indirect.scatter.add.f32 [tilespmem:s12], [sflag:$0x3], $0x80, s19, s11, $0xb8;
	[tilespmem:$0x1D800] =	vst v63  }
0x114: {  	_ =	swait.ge [sflag:s15], $0x4000  }
0x115: {  	[sflag:s15] =	ssyncset.done $0x0  }
0x116: {  	[sflag:s15] =	ssyncadd.s32 $0xFFFFC000  }
0x117: {  	[tilespmem:s12], [sflag:$0x1] =	stream.indirect.gather [hbm4b:s4+s11], $0x80, s20, s11, $0xb8;
	[tilespmem:$0x1D800] =	vst v63  }
0x118: {  	_ =	swait.ge [sflag:s16], $0x4000  }
0x119: {  	[sflag:s16] =	ssyncset.done $0x0  }
0x11a: {  	[sflag:s16] =	ssyncadd.s32 $0xFFFFC000  }
0x11b: {  	[spmem:s2] =	stream.indirect.scatter.add.f32 [tilespmem:s13], [sflag:$0x4], $0x80, s21, s11, $0xb8;
	[tilespmem:$0x1D800] =	vst v63  }
0x11c: {  	_ =	swait.ge [sflag:s17], $0x4000  }
0x11d: {  	[sflag:s17] =	ssyncset.done $0x0  }
0x11e: {  	[sflag:s17] =	ssyncadd.s32 $0xFFFFC000  }
0x11f: {  	[tilespmem:s13], [sflag:$0x2] =	stream.indirect.gather [hbm4b:s4+s11], $0x80, s22, s11, $0xb8;
	[tilespmem:$0x1D800] =	vst v63  }
0x120: {  	_ =	swait.ge [sflag:s14], $0x4000  }
0x121: {  	[sflag:s14] =	ssyncset.done $0x0  }
0x122: {  	[sflag:s14] =	ssyncadd.s32 $0xFFFFC000  }
0x123: {  	[spmem:s2] =	stream.indirect.scatter.add.f32 [tilespmem:s12], [sflag:$0x3], $0x80, s23, s11, $0xb8;
	[tilespmem:$0x1D800] =	vst v63  }
0x124: {  	_ =	swait.ge [sflag:s15], $0x4000  }
0x125: {  	[sflag:s15] =	ssyncset.done $0x0  }
0x126: {  	[sflag:s15] =	ssyncadd.s32 $0xFFFFC000  }
0x127: {  	[tilespmem:s12], [sflag:$0x1] =	stream.indirect.gather [hbm4b:s4+s11], $0x80, s24, s11, $0xb8;
	[tilespmem:$0x1D800] =	vst v63  }
0x128: {  	_ =	swait.ge [sflag:s16], $0x4000  }
0x129: {  	[sflag:s16] =	ssyncset.done $0x0  }
0x12a: {  	[sflag:s16] =	ssyncadd.s32 $0xFFFFC000  }
0x12b: {  	[spmem:s2] =	stream.indirect.scatter.add.f32 [tilespmem:s13], [sflag:$0x4], $0x80, s25, s11, $0xb8;
	[tilespmem:$0x1D800] =	vst v63  }
0x12c: {  	_ =	swait.ge [sflag:s17], $0x4000  }
0x12d: {  	[sflag:s17] =	ssyncset.done $0x0  }
0x12e: {  	[sflag:s17] =	ssyncadd.s32 $0xFFFFC000  }
0x12f: {  	[tilespmem:s13], [sflag:$0x2] =	stream.indirect.gather [hbm4b:s4+s11], $0x80, s26, s11, $0xb8;
	[tilespmem:$0x1D800] =	vst v63  }
0x130: {  	_ =	swait.ge [sflag:s14], $0x4000  }
0x131: {  	[sflag:s14] =	ssyncset.done $0x0  }
0x132: {  	[sflag:s14] =	ssyncadd.s32 $0xFFFFC000  }
0x133: {  	[spmem:s2] =	stream.indirect.scatter.add.f32 [tilespmem:s12], [sflag:$0x3], $0x80, s28, s11, $0xb8;
	[tilespmem:$0x1D800] =	vst v63  }
0x134: {  	_ =	swait.ge [sflag:s15], $0x4000  }
0x135: {  	[sflag:s15] =	ssyncset.done $0x0  }
0x136: {  	[sflag:s15] =	ssyncadd.s32 $0xFFFFC000  }
0x137: {  	[tilespmem:s12], [sflag:$0x1] =	stream.indirect.gather [hbm4b:s4+s11], $0x80, s29, s11, $0xb8;
	[tilespmem:$0x1D800] =	vst v63  }
0x138: {  	_ =	swait.ge [sflag:s16], $0x4000  }
0x139: {  	[sflag:s16] =	ssyncset.done $0x0  }
0x13a: {  	[sflag:s16] =	ssyncadd.s32 $0xFFFFC000  }
0x13b: {  	[spmem:s2] =	stream.indirect.scatter.add.f32 [tilespmem:s13], [sflag:$0x4], $0x80, s30, s11, $0xb8;
	[tilespmem:$0x1D800] =	vst v63  }
0x13c: {  	_ =	swait.ge [sflag:s17], $0x4000  }
0x13d: {  	[sflag:s17] =	ssyncset.done $0x0  }
0x13e: {  	[sflag:s17] =	ssyncadd.s32 $0xFFFFC000  }
0x13f: {  	[tilespmem:s13], [sflag:$0x2] =	stream.indirect.gather [hbm4b:s4+s11], $0x80, s31, s11, $0xb8;
	[tilespmem:$0x1D800] =	vst v63  }
0x140: {  	_ =	swait.ge [sflag:s14], $0x4000  }
0x141: {  	[sflag:s14] =	ssyncset.done $0x0  }
0x142: {  	[sflag:s14] =	ssyncadd.s32 $0xFFFFC000  }
0x143: {  	[spmem:s2] =	stream.indirect.scatter.add.f32 [tilespmem:s12], [sflag:$0x3], $0x80, s1, s11, $0xb8;
	[tilespmem:$0x1D800] =	vst v63  }
0x144: {  	_ =	swait.ge [sflag:s16], $0x4000  }
0x145: {  	[sflag:s16] =	ssyncset.done $0x0  }
0x146: {  	p0 =	sne.s32 s6, $0x400;
	[sflag:s16] =	ssyncadd.s32 $0xFFFFC000  }
0x147: {  	[spmem:s2] =	stream.indirect.scatter.add.f32 [tilespmem:s13], [sflag:$0x4], $0x80, s0, s11, $0xb8;
	[tilespmem:$0x1D800] =	vst v63  }
.Ltmp2:
0x148: {  	_ =	swait.ge [sflag:s15], $0x4000;
	(pc) =	sbr.rel @p0 .LBB2_6-.Ltmp2, $4  }
0x149: {  	[sflag:s15] =	ssyncset.done $0x0  }
0x14a: {  	[sflag:s15] =	ssyncadd.s32 $0xFFFFC000  }
0x14b: {  	_ =	swait.ge [sflag:s17], $0x4000  }
0x14c: {  	s6 =	sadd.s32 $0x100, s6;
	s8 =	rddreg [dreg:$0x5];
	[sflag:s17] =	ssyncset.done $0x0  }
0x14d: {  	[sflag:s17] =	ssyncadd.s32 $0xFFFFC000;
	s6 =	sadd.s32 s7, s8  }
0x14e: {  	[tilespmem:s3], [sflag:$0x5] =	stream.linear.gather [hbm4b:s6+s3], $0x800, $0x38;
	[tilespmem:$0x1D800] =	vst v63  }
0x14f: {  	_ =	swait.ge [sflag:s9], $0x800  }
0x150: {  	s8 =	rddreg [dreg:$0x4];
	[sflag:s9] =	ssyncset.done $0x0  }
0x151: {  	[sflag:s9] =	ssyncadd.s32 $0xFFFFF800;
	s6 =	sadd.s32 s7, s8  }
0x152: {  	[tilespmem:s10], [sflag:$0x5] =	stream.linear.gather [hbm4b:s6+s3], $0x800, $0x38;
	[tilespmem:$0x1D800] =	vst v63  }
0x153: {  	_ =	swait.ge [sflag:s9], $0x800  }
0x154: {  	[sflag:s9] =	ssyncset.done $0x0  }
0x155: {  	[sflag:s9] =	ssyncadd.s32 $0xFFFFF800  }
0x156: {  	[tilespmem:s12], [sflag:$0x1] =	stream.indirect.gather [hbm4b:s4+s11], $0x80, s3, s11, $0xb8;
	[tilespmem:$0x1D800] =	vst v63  }
0x157: {  	_ = 	snop  }
0x158: {  	[tilespmem:s13], [sflag:$0x2] =	stream.indirect.gather [hbm4b:s4+s11], $0x80, s11, s11, $0xb8;
	[tilespmem:$0x1D800] =	vst v63  }
0x159: {  	_ =	swait.ge [sflag:s14], $0x4000  }
0x15a: {  	[sflag:s14] =	ssyncset.done $0x0  }
0x15b: {  	[sflag:s14] =	ssyncadd.s32 $0xFFFFC000  }
0x15c: {  	[spmem:s2] =	stream.indirect.scatter.add.f32 [tilespmem:s12], [sflag:$0x3], $0x80, s10, s11, $0xb8;
	[tilespmem:$0x1D800] =	vst v63  }
0x15d: {  	_ =	swait.ge [sflag:s15], $0x4000  }
0x15e: {  	[sflag:s15] =	ssyncset.done $0x0  }
0x15f: {  	s8 =	rddreg [dreg:$0x6];
	[sflag:s15] =	ssyncadd.s32 $0xFFFFC000  }
0x160: {  	[tilespmem:s12], [sflag:$0x1] =	stream.indirect.gather [hbm4b:s4+s11], $0x80, s8, s11, $0xb8;
	[tilespmem:$0x1D800] =	vst v63  }
0x161: {  	_ =	swait.ge [sflag:s16], $0x4000  }
0x162: {  	[sflag:s16] =	ssyncset.done $0x0  }
0x163: {  	s7 =	rddreg [dreg:$0x7];
	[sflag:s16] =	ssyncadd.s32 $0xFFFFC000  }
0x164: {  	[spmem:s2] =	stream.indirect.scatter.add.f32 [tilespmem:s13], [sflag:$0x4], $0x80, s7, s11, $0xb8;
	[tilespmem:$0x1D800] =	vst v63  }
0x165: {  	_ =	swait.ge [sflag:s17], $0x4000  }
0x166: {  	[sflag:s17] =	ssyncset.done $0x0  }
0x167: {  	s8 =	rddreg [dreg:$0x8];
	[sflag:s17] =	ssyncadd.s32 $0xFFFFC000  }
0x168: {  	[tilespmem:s13], [sflag:$0x2] =	stream.indirect.gather [hbm4b:s4+s11], $0x80, s8, s11, $0xb8;
	[tilespmem:$0x1D800] =	vst v63  }
0x169: {  	_ =	swait.ge [sflag:s14], $0x4000  }
0x16a: {  	[sflag:s14] =	ssyncset.done $0x0  }
0x16b: {  	s7 =	rddreg [dreg:$0x9];
	[sflag:s14] =	ssyncadd.s32 $0xFFFFC000  }
0x16c: {  	[spmem:s2] =	stream.indirect.scatter.add.f32 [tilespmem:s12], [sflag:$0x3], $0x80, s7, s11, $0xb8;
	[tilespmem:$0x1D800] =	vst v63  }
0x16d: {  	_ =	swait.ge [sflag:s15], $0x4000  }
0x16e: {  	[sflag:s15] =	ssyncset.done $0x0  }
0x16f: {  	s8 =	rddreg [dreg:$0xa];
	[sflag:s15] =	ssyncadd.s32 $0xFFFFC000  }
0x170: {  	[tilespmem:s12], [sflag:$0x1] =	stream.indirect.gather [hbm4b:s4+s11], $0x80, s8, s11, $0xb8;
	[tilespmem:$0x1D800] =	vst v63  }
0x171: {  	_ =	swait.ge [sflag:s16], $0x4000  }
0x172: {  	[sflag:s16] =	ssyncset.done $0x0  }
0x173: {  	s7 =	rddreg [dreg:$0xb];
	[sflag:s16] =	ssyncadd.s32 $0xFFFFC000  }
0x174: {  	[spmem:s2] =	stream.indirect.scatter.add.f32 [tilespmem:s13], [sflag:$0x4], $0x80, s7, s11, $0xb8;
	[tilespmem:$0x1D800] =	vst v63  }
0x175: {  	_ =	swait.ge [sflag:s17], $0x4000  }
0x176: {  	[sflag:s17] =	ssyncset.done $0x0  }
0x177: {  	s8 =	rddreg [dreg:$0xc];
	[sflag:s17] =	ssyncadd.s32 $0xFFFFC000  }
0x178: {  	[tilespmem:s13], [sflag:$0x2] =	stream.indirect.gather [hbm4b:s4+s11], $0x80, s8, s11, $0xb8;
	[tilespmem:$0x1D800] =	vst v63  }
0x179: {  	_ =	swait.ge [sflag:s14], $0x4000  }
0x17a: {  	[sflag:s14] =	ssyncset.done $0x0  }
0x17b: {  	s7 =	rddreg [dreg:$0xd];
	[sflag:s14] =	ssyncadd.s32 $0xFFFFC000  }
0x17c: {  	[spmem:s2] =	stream.indirect.scatter.add.f32 [tilespmem:s12], [sflag:$0x3], $0x80, s7, s11, $0xb8;
	[tilespmem:$0x1D800] =	vst v63  }
0x17d: {  	_ =	swait.ge [sflag:s15], $0x4000  }
0x17e: {  	[sflag:s15] =	ssyncset.done $0x0  }
0x17f: {  	s8 =	rddreg [dreg:$0xe];
	[sflag:s15] =	ssyncadd.s32 $0xFFFFC000  }
0x180: {  	[tilespmem:s12], [sflag:$0x1] =	stream.indirect.gather [hbm4b:s4+s11], $0x80, s8, s11, $0xb8;
	[tilespmem:$0x1D800] =	vst v63  }
0x181: {  	_ =	swait.ge [sflag:s16], $0x4000  }
0x182: {  	[sflag:s16] =	ssyncset.done $0x0  }
0x183: {  	s7 =	rddreg [dreg:$0xf];
	[sflag:s16] =	ssyncadd.s32 $0xFFFFC000  }
0x184: {  	[spmem:s2] =	stream.indirect.scatter.add.f32 [tilespmem:s13], [sflag:$0x4], $0x80, s7, s11, $0xb8;
	[tilespmem:$0x1D800] =	vst v63  }
0x185: {  	_ =	swait.ge [sflag:s17], $0x4000  }
0x186: {  	[sflag:s17] =	ssyncset.done $0x0  }
0x187: {  	s8 =	rddreg [dreg:$0x10];
	[sflag:s17] =	ssyncadd.s32 $0xFFFFC000  }
0x188: {  	[tilespmem:s13], [sflag:$0x2] =	stream.indirect.gather [hbm4b:s4+s11], $0x80, s8, s11, $0xb8;
	[tilespmem:$0x1D800] =	vst v63  }
0x189: {  	_ =	swait.ge [sflag:s14], $0x4000  }
0x18a: {  	[sflag:s14] =	ssyncset.done $0x0  }
0x18b: {  	s7 =	rddreg [dreg:$0x11];
	[sflag:s14] =	ssyncadd.s32 $0xFFFFC000  }
0x18c: {  	[spmem:s2] =	stream.indirect.scatter.add.f32 [tilespmem:s12], [sflag:$0x3], $0x80, s7, s11, $0xb8;
	[tilespmem:$0x1D800] =	vst v63  }
0x18d: {  	_ =	swait.ge [sflag:s15], $0x4000  }
0x18e: {  	[sflag:s15] =	ssyncset.done $0x0  }
0x18f: {  	s8 =	rddreg [dreg:$0x12];
	[sflag:s15] =	ssyncadd.s32 $0xFFFFC000  }
0x190: {  	[tilespmem:s12], [sflag:$0x1] =	stream.indirect.gather [hbm4b:s4+s11], $0x80, s8, s11, $0xb8;
	[tilespmem:$0x1D800] =	vst v63  }
0x191: {  	_ =	swait.ge [sflag:s16], $0x4000  }
0x192: {  	[sflag:s16] =	ssyncset.done $0x0  }
0x193: {  	s7 =	rddreg [dreg:$0x13];
	[sflag:s16] =	ssyncadd.s32 $0xFFFFC000  }
0x194: {  	[spmem:s2] =	stream.indirect.scatter.add.f32 [tilespmem:s13], [sflag:$0x4], $0x80, s7, s11, $0xb8;
	[tilespmem:$0x1D800] =	vst v63  }
0x195: {  	_ =	swait.ge [sflag:s17], $0x4000  }
0x196: {  	[sflag:s17] =	ssyncset.done $0x0  }
0x197: {  	[sflag:s17] =	ssyncadd.s32 $0xFFFFC000  }
0x198: {  	[tilespmem:s13], [sflag:$0x2] =	stream.indirect.gather [hbm4b:s4+s11], $0x80, s18, s11, $0xb8;
	[tilespmem:$0x1D800] =	vst v63  }
0x199: {  	_ =	swait.ge [sflag:s14], $0x4000  }
0x19a: {  	[sflag:s14] =	ssyncset.done $0x0  }
0x19b: {  	[sflag:s14] =	ssyncadd.s32 $0xFFFFC000  }
0x19c: {  	[spmem:s2] =	stream.indirect.scatter.add.f32 [tilespmem:s12], [sflag:$0x3], $0x80, s19, s11, $0xb8;
	[tilespmem:$0x1D800] =	vst v63  }
0x19d: {  	_ =	swait.ge [sflag:s15], $0x4000  }
0x19e: {  	[sflag:s15] =	ssyncset.done $0x0  }
0x19f: {  	[sflag:s15] =	ssyncadd.s32 $0xFFFFC000  }
0x1a0: {  	[tilespmem:s12], [sflag:$0x1] =	stream.indirect.gather [hbm4b:s4+s11], $0x80, s20, s11, $0xb8;
	[tilespmem:$0x1D800] =	vst v63  }
0x1a1: {  	_ =	swait.ge [sflag:s16], $0x4000  }
0x1a2: {  	[sflag:s16] =	ssyncset.done $0x0  }
0x1a3: {  	[sflag:s16] =	ssyncadd.s32 $0xFFFFC000  }
0x1a4: {  	[spmem:s2] =	stream.indirect.scatter.add.f32 [tilespmem:s13], [sflag:$0x4], $0x80, s21, s11, $0xb8;
	[tilespmem:$0x1D800] =	vst v63  }
0x1a5: {  	_ =	swait.ge [sflag:s17], $0x4000  }
0x1a6: {  	[sflag:s17] =	ssyncset.done $0x0  }
0x1a7: {  	[sflag:s17] =	ssyncadd.s32 $0xFFFFC000  }
0x1a8: {  	[tilespmem:s13], [sflag:$0x2] =	stream.indirect.gather [hbm4b:s4+s11], $0x80, s22, s11, $0xb8;
	[tilespmem:$0x1D800] =	vst v63  }
0x1a9: {  	_ =	swait.ge [sflag:s14], $0x4000  }
0x1aa: {  	[sflag:s14] =	ssyncset.done $0x0  }
0x1ab: {  	[sflag:s14] =	ssyncadd.s32 $0xFFFFC000  }
0x1ac: {  	[spmem:s2] =	stream.indirect.scatter.add.f32 [tilespmem:s12], [sflag:$0x3], $0x80, s23, s11, $0xb8;
	[tilespmem:$0x1D800] =	vst v63  }
0x1ad: {  	_ =	swait.ge [sflag:s15], $0x4000  }
0x1ae: {  	[sflag:s15] =	ssyncset.done $0x0  }
0x1af: {  	[sflag:s15] =	ssyncadd.s32 $0xFFFFC000  }
0x1b0: {  	[tilespmem:s12], [sflag:$0x1] =	stream.indirect.gather [hbm4b:s4+s11], $0x80, s24, s11, $0xb8;
	[tilespmem:$0x1D800] =	vst v63  }
0x1b1: {  	_ =	swait.ge [sflag:s16], $0x4000  }
0x1b2: {  	[sflag:s16] =	ssyncset.done $0x0  }
0x1b3: {  	[sflag:s16] =	ssyncadd.s32 $0xFFFFC000  }
0x1b4: {  	[spmem:s2] =	stream.indirect.scatter.add.f32 [tilespmem:s13], [sflag:$0x4], $0x80, s25, s11, $0xb8;
	[tilespmem:$0x1D800] =	vst v63  }
0x1b5: {  	_ =	swait.ge [sflag:s17], $0x4000  }
0x1b6: {  	[sflag:s17] =	ssyncset.done $0x0  }
0x1b7: {  	[sflag:s17] =	ssyncadd.s32 $0xFFFFC000  }
0x1b8: {  	[tilespmem:s13], [sflag:$0x2] =	stream.indirect.gather [hbm4b:s4+s11], $0x80, s26, s11, $0xb8;
	[tilespmem:$0x1D800] =	vst v63  }
0x1b9: {  	_ =	swait.ge [sflag:s14], $0x4000  }
0x1ba: {  	[sflag:s14] =	ssyncset.done $0x0  }
0x1bb: {  	[sflag:s14] =	ssyncadd.s32 $0xFFFFC000  }
0x1bc: {  	[spmem:s2] =	stream.indirect.scatter.add.f32 [tilespmem:s12], [sflag:$0x3], $0x80, s28, s11, $0xb8;
	[tilespmem:$0x1D800] =	vst v63  }
0x1bd: {  	_ =	swait.ge [sflag:s15], $0x4000  }
0x1be: {  	[sflag:s15] =	ssyncset.done $0x0  }
0x1bf: {  	[sflag:s15] =	ssyncadd.s32 $0xFFFFC000  }
0x1c0: {  	[tilespmem:s12], [sflag:$0x1] =	stream.indirect.gather [hbm4b:s4+s11], $0x80, s29, s11, $0xb8;
	[tilespmem:$0x1D800] =	vst v63  }
0x1c1: {  	_ =	swait.ge [sflag:s16], $0x4000  }
0x1c2: {  	[sflag:s16] =	ssyncset.done $0x0  }
0x1c3: {  	[sflag:s16] =	ssyncadd.s32 $0xFFFFC000  }
0x1c4: {  	[spmem:s2] =	stream.indirect.scatter.add.f32 [tilespmem:s13], [sflag:$0x4], $0x80, s30, s11, $0xb8;
	[tilespmem:$0x1D800] =	vst v63  }
0x1c5: {  	_ =	swait.ge [sflag:s17], $0x4000  }
0x1c6: {  	[sflag:s17] =	ssyncset.done $0x0  }
0x1c7: {  	[sflag:s17] =	ssyncadd.s32 $0xFFFFC000  }
0x1c8: {  	[tilespmem:s13], [sflag:$0x2] =	stream.indirect.gather [hbm4b:s4+s11], $0x80, s31, s11, $0xb8;
	[tilespmem:$0x1D800] =	vst v63  }
0x1c9: {  	_ =	swait.ge [sflag:s14], $0x4000  }
0x1ca: {  	[sflag:s14] =	ssyncset.done $0x0  }
0x1cb: {  	[sflag:s14] =	ssyncadd.s32 $0xFFFFC000  }
0x1cc: {  	[spmem:s2] =	stream.indirect.scatter.add.f32 [tilespmem:s12], [sflag:$0x3], $0x80, s1, s11, $0xb8;
	[tilespmem:$0x1D800] =	vst v63  }
0x1cd: {  	_ =	swait.ge [sflag:s16], $0x4000  }
0x1ce: {  	[sflag:s16] =	ssyncset.done $0x0  }
0x1cf: {  	[sflag:s16] =	ssyncadd.s32 $0xFFFFC000  }
0x1d0: {  	[spmem:s2] =	stream.indirect.scatter.add.f32 [tilespmem:s13], [sflag:$0x4], $0x80, s0, s11, $0xb8;
	[tilespmem:$0x1D800] =	vst v63  }
0x1d1: {  	_ =	swait.ge [sflag:s15], $0x4000  }
0x1d2: {  	[sflag:s15] =	ssyncset.done $0x0  }
0x1d3: {  	[sflag:s15] =	ssyncadd.s32 $0xFFFFC000  }
0x1d4: {  	_ =	swait.ge [sflag:s17], $0x4000  }
0x1d5: {  	[sflag:s17] =	ssyncset.done $0x0  }
0x1d6: {  	s8 =	stileid.u32;
	[sflag:s17] =	ssyncadd.s32 $0xFFFFC000  }
0x1d7: {  	s6 =	sshll.u32 s8, $0x6;
	[bflag:$0x0] =	sbarrier.arrive $0xFFFF  }
0x1d8: {  	s6 =	sor.u32 $0x1C05, s6;
	s7 =	sshrl.u32 s5, $0x3;
	s8 =	rddreg [dreg:$0x14]  }
0x1d9: {  	[hbm:s8], [sflag:s6] =	dma.local [spmem:s7], $0x2800  }
0x1da: {  	_ =	swait.ge [sflag:s9], $0x2800  }
0x1db: {  	s6 =	rddreg [dreg:$0x16]  }
0x1dc: {  	s8 =	rddreg [dreg:$0x15];
	s7 =	sadd.s32 $0x1, s6  }
0x1dd: {  	p0 =	sne.s32 s7, s8  }
.Ltmp3:
0x1de: {  	_ = 	snop;
	(pc) =	sbr.rel @p0 .LBB2_1-.Ltmp3, $3  }
0x1df: {  	_ =	sdelay $0x1  }
0x1e0: {  	[sflag:s9] =	ssyncset.done $0x0  }
0x1e1: {  	[sflag:s9] =	ssyncadd.s32 $0xFFFFD800;
	s8 =	simm.s32 $0x9000  }
0x1e2: {  	_ =	sfence.sel $0x180000  }
0x1e3: {  	[bflag:$0x0] =	sbarrier.arrive $0xFFFF  }
0x1e4: {  	_ =	strace $0x9000004A  }
0x1e5: {  	s0 =	stileid.u32;
	[bflag:$0x2] =	sbarrier.arrive $0xFFFF  }
0x1e6: {  	p0 =	sne.s32 s0, $0x0;
	s0 =	rddreg [dreg:$0x3]  }
0x1e7: {  	s0 =	sadd.s32 @!p0 $0x100000, s0  }
0x1e8: {  	[sflag:s0] =	ssyncadd.tile.s32 @!p0 $0x1;
	_ =	shalt  }
.Lfunc_end2:
_tile_overlayer_lowered:
.L_overlay_start_2:
0x1e9: {  	(tag) =	ssettag $0x2  }
0x1ea: {  	s0 =	rddreg [dreg:$0x0];
	s2 =	stileid.u32  }
0x1eb: {  	s1 =	rddreg [dreg:$0x1];
	p0 =	sne.s32 s2, $0x0  }
0x1ec: {  	s3 =	rddreg [dreg:$0x2];
	[bflag:$0x3] =	sbarrier.arrive $0xFFFF;
	s2 =	simm.s32 @!p0 $0x1C05  }
0x1ed: {  	[timem:s3], [sflag:s2] =	dma.local @!p0 [hbm:s0], s1  }
0x1ee: {  	s0 =	simm.s32 @!p0 $0x5  }
0x1ef: {  	_ =	swait.ge @!p0 [sflag:s0], s1  }
0x1f0: {  	s1 =	ssub.s32 @!p0 $0x0, s1;
	[sflag:s0] =	ssyncset.done @!p0 $0x0  }
0x1f1: {  	[sflag:s0] =	ssyncadd.s32 @!p0 s1  }
0x1f2: {  	[bflag:$0x3] =	sbarrier.arrive $0xFFFF  }
0x1f3: {  	_ =	shalt  }

// kernel: kernel.7.cloned.1.call-start
scs
__scs_entry_jumppad:
0x0: {  	(pc) =	sbr.rel $0x88, $3  }
0x1: {  	(tag) =	ssettag $0x0;
	lr =	simm.s32 $0x1  }
0x2: {  	[smem:$0x3F99] =	sst lr;
	_ =	strace $0xD0000000  }
0x3: {  	_ = 	snop  }
0x4: {  	_ = 	snop  }
0x5: {  	_ = 	snop  }
0x6: {  	_ = 	snop  }
0x7: {  	_ = 	snop  }
__scs_overlays_trampoline_lowered:
0x8: {  	[smem:$0x3FA8] =	sst s0  }
0x9: {  	[smem:$0x3FA9] =	sst s1  }
0xa: {  	[smem:$0x3FAA] =	sst s2  }
0xb: {  	[smem:$0x3FAB] =	sst s3  }
0xc: {  	[smem:$0x3FAC] =	sst s4  }
0xd: {  	[smem:$0x3FAD] =	sst s5  }
0xe: {  	[smem:$0x3FAE] =	sst s6  }
0xf: {  	[smem:$0x3FAF] =	sst s7  }
0x10: {  	[smem:$0x3FB0] =	sst s8  }
0x11: {  	[smem:$0x3FB1] =	sst s9;
	s0 =	simm.s32 @!p0 $0x0  }
0x12: {  	s1 =	sld [smem:$0x3F97];
	s0 =	simm.s32 @p0 $0x1  }
0x13: {  	[smem:$0x3FB2] =	sst s0;
	s0 =	simm.s32 @!p1 $0x0  }
0x14: {  	s2 =	sld [smem:$0x3F96];
	s0 =	simm.s32 @p1 $0x1  }
0x15: {  	[smem:$0x3FB3] =	sst s0;
	s0 =	simm.s32 @!p2 $0x0  }
0x16: {  	s3 =	sld [smem:$0x3FDB];
	s0 =	simm.s32 @p2 $0x1  }
0x17: {  	s4 =	simm.s32 $0x1BF5;
	[smem:$0x3FB5] =	sst s0  }
0x18: {  	s0 =	sld [smem:$0x3F98];
	_ =	swait.ge [sflag:s4], $0x0  }
0x19: {  	s7 =	sld [smem:$0x3F99]  }
0x1a: {  	s8 =	sadd.s32 $0xFFFFE003, lr  }
0x1b: {  	s9 =	sadd.s32 $0xFFFFFEF7, lr;
	s5 =	simm.s32 $0xFFFFFFFF;
	p2 =	slt.u32 s8, $0xFFFFF086  }
0x1c: {  	p1 =	slt.u32 s9, $0xF7A;
	s5 =	simm.s32 @!p2 $0x0  }
0x1d: {  	s5 =	simm.s32 @p1 $0x1;
	p0 =	seq.s32 s7, s2  }
0x1e: {  	s7 =	smul.u32 @!p0 $0xF7A, s2;
	p2 =	seq.s32 @!p0 s5, $0x0  }
0x1f: {  	s9 =	smul.u32 $0xF7A, s1;
	s8 =	simm.s32 @!p0 $0x1BF5;
	p2 =	por !p2, p0  }
0x20: {  	[sflag:s8] =	ssyncset.s32 @!p0 $0xFFFFF086;
	s6 =	sadd.s32 @!p0 s3, s7;
	s7 =	simm.s32 @!p0 $0x108  }
0x21: {  	s3 =	sadd.s32 s3, s9;
	s6 =	sadd.s32 @!p0 $0x88, s6;
	s7 =	simm.s32 @p2 $0x1082  }
0x22: {  	[simem:s7], [sflag:s8] =	dma.local @!p0 [hbm:s6], $0xF7A  }
0x23: {  	s9 =	sor.u32 $0xD0000000, s2;
	s6 =	simm.s32 $0x108;
	_ =	swait.ge @!p0 [sflag:s8], $0x0  }
0x24: {  	s3 =	sadd.s32 $0x88, s3;
	s6 =	simm.s32 @!p1 $0x1082;
	[sflag:s4] =	ssyncset.s32 $0xFFFFF086  }
0x25: {  	[simem:s6], [sflag:s4] =	dma.local [hbm:s3], $0xF7A  }
0x26: {  	[smem:$0x3F99] =	sst s1;
	(tag) =	ssettag s2;
	_ =	strace s9  }
0x27: {  	s1 =	sld [smem:$0x3FA9]  }
0x28: {  	s2 =	sld [smem:$0x3FAA]  }
0x29: {  	s4 =	sld [smem:$0x3FAC]  }
0x2a: {  	p0 =	seq.s32 s5, $0x0;
	s5 =	sld [smem:$0x3FAD]  }
0x2b: {  	s6 =	sld [smem:$0x3FAE]  }
0x2c: {  	s7 =	sld [smem:$0x3FAF]  }
0x2d: {  	s3 =	simm.s32 $0x108;
	s8 =	sld [smem:$0x3FB0]  }
0x2e: {  	s3 =	simm.s32 @!p0 $0x1082;
	s9 =	sld [smem:$0x3FB1]  }
0x2f: {  	lr =	sadd.s32 s0, s3;
	s0 =	sld [smem:$0x3FA8]  }
0x30: {  	s3 =	sld [smem:$0x3FAB]  }
0x31: {  	[smem:$0x3FB4] =	sst s10  }
0x32: {  	s10 =	sld [smem:$0x3FB2];
	_ =	sdelay $0x3  }
0x33: {  	p0 =	seq.s32 s10, $0x1;
	s10 =	sld [smem:$0x3FB4];
	_ =	sdelay $0x3  }
0x34: {  	[smem:$0x3FB4] =	sst s10  }
0x35: {  	s10 =	sld [smem:$0x3FB3];
	_ =	sdelay $0x3  }
0x36: {  	p1 =	seq.s32 s10, $0x1;
	s10 =	sld [smem:$0x3FB4];
	_ =	sdelay $0x3  }
0x37: {  	[smem:$0x3FB4] =	sst s10  }
0x38: {  	s10 =	sld [smem:$0x3FB5]  }
0x39: {  	_ = 	snop;
	(pc) =	sbr.ind lr, $3  }
0x3a: {  	_ = 	snop  }
0x3b: {  	_ = 	snop  }
0x3c: {  	p2 =	seq.s32 s10, $0x1;
	s10 =	sld [smem:$0x3FB4]  }
0x3d: {  	_ =	shalt  }
0x3e: {  	_ =	shalt  }
0x3f: {  	_ =	shalt  }
0x40: {  	_ =	shalt  }
0x41: {  	_ =	shalt  }
0x42: {  	_ =	shalt  }
0x43: {  	_ =	shalt  }
0x44: {  	_ =	shalt  }
0x45: {  	_ =	shalt  }
0x46: {  	_ =	shalt  }
0x47: {  	_ =	shalt  }
0x48: {  	_ =	shalt  }
0x49: {  	_ =	shalt  }
0x4a: {  	_ =	shalt  }
0x4b: {  	_ =	shalt  }
0x4c: {  	_ =	shalt  }
0x4d: {  	_ =	shalt  }
0x4e: {  	_ =	shalt  }
0x4f: {  	_ =	shalt  }
0x50: {  	_ =	shalt  }
0x51: {  	_ =	shalt  }
0x52: {  	_ =	shalt  }
0x53: {  	_ =	shalt  }
0x54: {  	_ =	shalt  }
0x55: {  	_ =	shalt  }
0x56: {  	_ =	shalt  }
0x57: {  	_ =	shalt  }
0x58: {  	_ =	shalt  }
0x59: {  	_ =	shalt  }
0x5a: {  	_ =	shalt  }
0x5b: {  	_ =	shalt  }
0x5c: {  	_ =	shalt  }
0x5d: {  	_ =	shalt  }
0x5e: {  	_ =	shalt  }
0x5f: {  	_ =	shalt  }
0x60: {  	_ =	shalt  }
0x61: {  	_ =	shalt  }
0x62: {  	_ =	shalt  }
0x63: {  	_ =	shalt  }
0x64: {  	_ =	shalt  }
0x65: {  	_ =	shalt  }
0x66: {  	_ =	shalt  }
0x67: {  	_ =	shalt  }
0x68: {  	_ =	shalt  }
0x69: {  	_ =	shalt  }
0x6a: {  	_ =	shalt  }
0x6b: {  	_ =	shalt  }
0x6c: {  	_ =	shalt  }
0x6d: {  	_ =	shalt  }
0x6e: {  	_ =	shalt  }
0x6f: {  	_ =	shalt  }
0x70: {  	_ =	shalt  }
0x71: {  	_ =	shalt  }
0x72: {  	_ =	shalt  }
0x73: {  	_ =	shalt  }
0x74: {  	_ =	shalt  }
0x75: {  	_ =	shalt  }
0x76: {  	_ =	shalt  }
0x77: {  	_ =	shalt  }
0x78: {  	_ =	shalt  }
0x79: {  	_ =	shalt  }
0x7a: {  	_ =	shalt  }
0x7b: {  	_ =	shalt  }
0x7c: {  	_ =	shalt  }
0x7d: {  	_ =	shalt  }
0x7e: {  	_ =	shalt  }
0x7f: {  	_ =	shalt  }
0x80: {  	_ =	shalt  }
0x81: {  	_ =	shalt  }
0x82: {  	_ =	shalt  }
0x83: {  	_ =	shalt  }
0x84: {  	_ =	shalt  }
0x85: {  	_ =	shalt  }
0x86: {  	_ =	shalt  }
0x87: {  	_ =	shalt  }
.Lfunc_end0:
.L_simem_size_0:
called_computation_lowered:
.L_overlay_start_0:
0x88: {  	s2 =	sld [smem:$0x3FD9]  }
0x89: {  	s3 =	sld [smem:$0x3FFE];
	_ =	sdelay $0x1  }
0x8a: {  	s1 =	srdreg.scid  }
0x8b: {  	s0 =	sand.u32 $0x1, s1  }
0x8c: {  	s17 =	sshll.u32 s0, $0xA;
	s2 =	sadd.s32 s3, s2  }
0x8d: {  	s2 =	sadd.s32 s2, s17  }
0x8e: {  	[smem:$0x3FC0] =	sst s2  }
0x8f: {  	_ = 	snop  }
0x90: {  	s2 =	sld [smem:$0x3FD0];
	(tm) =	ssettm $0x1  }
0x91: {  	s18 =	sld [smem:$0x3FFB];
	_ =	sdelay $0x3  }
0x92: {  	_ =	strace s18  }
0x93: {  	s3 =	sld [smem:$0x3FFC];
	_ =	sdelay $0x3  }
0x94: {  	_ =	strace s3  }
0x95: {  	s3 =	sld [smem:$0x3FFD];
	_ =	sdelay $0x3  }
0x96: {  	_ =	strace s3  }
0x97: {  	_ =	strace $0x8FFFFFFF  }
0x98: {  	s19 =	sld [smem:$0x3FDB];
	_ =	sdelay $0x1  }
0x99: {  	s4 =	simm.s32 $_scs_section_size  }
0x9a: {  	s5 =	simm.s32 $_size__tile_overlayer_lowered;
	s6 =	simm.s32 $_tile_overlayer_lowered  }
0x9b: {  	s22 =	simm.s32 $0x1BFF;
	s21 =	sshll.u32 s6, $0x1;
	s3 =	sadd.s32 s4, s19  }
0x9c: {  	s7 =	simm.s32 $0x0;
	s20 =	sshll.u32 s5, $0x1;
	s5 =	sadd.s32 s21, s3  }
0x9d: {  	[timem:s7], [sflag:s22] =	dma.local [hbm:s5], s20  }
0x9e: {  	_ =	swait.ge [sflag:s22], s20  }
0x9f: {  	s4 =	ssub.s32 $0x0, s20;
	[sflag:s22] =	ssyncset.done $0x0  }
0xa0: {  	[sflag:s22] =	ssyncadd.s32 s4;
	_ =	sdelay $0x1  }
0xa1: {  	s23 =	simm.s32 $0x1B8B  }
0xa2: {  	_ =	swait.ge [sflag:s23], $0x1  }
0xa3: {  	[sflag:s23] =	ssyncset.done $0x0  }
0xa4: {  	s25 =	simm.s32 $0x1B8E;
	s24 =	sld [smem:$0x3FFE];
	[sflag:s23] =	ssyncadd.s32 $0xFFFFFFFF  }
0xa5: {  	s26 =	simm.s32 $execute0_lowered;
	[smem:$0x3FD2] =	sst s25  }
0xa6: {  	s5 =	sshll.u32 s26, $0x1;
	_ =	strace $0x80000046;
	[dreg:$0x1] =	wrdreg $0xFFFFFFFF  }
0xa7: {  	s28 =	simm.s32 $_size_execute0_lowered;
	s3 =	sadd.s32 s3, s5;
	[dreg:$0x0] =	wrdreg $0x0  }
0xa8: {  	s5 =	sshll.u32 s28, $0x1;
	[dreg:$0x2] =	wrdreg s3  }
0xa9: {  	[dreg:$0x3] =	wrdreg s5  }
0xaa: {  	[dreg:$0x4] =	wrdreg $0xC0  }
0xab: {  	_ =	task [dreg:s7], $0x5FFFF  }
0xac: {  	[dreg:$0x1] =	wrdreg $0xFFFFFFFF  }
0xad: {  	[dreg:$0x0] =	wrdreg $0x60  }
0xae: {  	[dreg:$0x2] =	wrdreg s2  }
0xaf: {  	[dreg:$0x3] =	wrdreg s24  }
0xb0: {  	[dreg:$0x4] =	wrdreg $0x9  }
0xb1: {  	_ =	task.clear_ibuf [dreg:s7], $0x5FFFF;
	_ =	strace $0x90000046  }
0xb2: {  	s29 =	simm.s32 $0x9;
	_ =	strace $0x80000048  }
0xb3: {  	_ =	swait.ge [sflag:s29], $0x1  }
0xb4: {  	[sflag:s29] =	ssyncadd.s32 $0xFFFFFFFF  }
0xb5: {  	_ =	strace $0x90000048  }
0xb6: {  	_ =	sfence  }
0xb7: {  	s30 =	sld [smem:$0x0];
	_ =	sdelay $0x2  }
0xb8: {  	s31 =	sshll.u32 s1, $0xD;
	s1 =	sshrl.u32 s1, $0x2  }
0xb9: {  	s3 =	sand.u32 $0x4000, s31;
	s1 =	sadd.s32 s1, s30  }
0xba: {  	s0 =	sor.u32 s3, s0;
	s1 =	sshll.u32 s1, $0x11  }
0xbb: {  	s0 =	sor.u32 s1, s0  }
0xbc: {  	s0 =	sadd.s32 $0x8F2B, s0  }
0xbd: {  	[sflag:s0] =	ssyncadd.remote.s32 $0x1  }
0xbe: {  	_ =	sfence.sel $0xFFFF  }
0xbf: {  	[dreg:$0x0] =	wrdreg $0xFFFFFFFF;
	(pc) =	sbr.abs _section_cstart, $3  }
0xc0: {  	[dreg:$0x1] =	wrdreg $0xFFFFFFFF  }
0xc1: {  	_ =	task.clear_ibuf [dreg:s7], $0x2FFFF;
	_ =	strace $0x9FFFFFFF  }
0xc2: {  	(tm) =	ssettm $0x7FFFFFFF  }
0xc3: {  	_ =	shalt  }
tec
execute0_lowered:
.L_overlay_start_1:
0x0: {  	(tag) =	ssettag $0x1  }
0x1: {  	s0 =	srdreg.scid  }
0x2: {  	s3 =	sand.u32 $0x1, s0  }
0x3: {  	s0 =	stileid.u32;
	s1 =	sshll.u32 s3, $0x4  }
0x4: {  	s5 =	rddreg [dreg:$0x0];
	s4 =	sor.u32 s0, s1  }
0x5: {  	s6 =	rddreg [dreg:$0x1];
	s2 =	simm.s32 $0x0;
	s1 =	sshrl.u32 s4, $0x3  }
0x6: {  	s9 =	simm.s32 $0x400;
	s8 =	sshll.u32 s0, $0x7;
	s7 =	smul.u32 $0x14000, s1  }
0x7: {  	s10 =	simm.s32 $0x0;
	s3 =	ssub.s32 $0x2, s3;
	s8 =	sand.u32 $0x380, s8  }
0x8: {  	[smem:$0x7FF] =	sst s2;
	s31 =	sshrl.u32 s3, $0x1;
	s7 =	sor.u32 s8, s7  }
0x9: {  	s4 =	smul.u32 $0x500, s4;
	s1 =	rddreg [dreg:$0x2];
	s7 =	sshrl.u32 s7, $0x3  }
0xa: {  	_ =	strace $0x80000047;
	s8 =	simm.s32 $0x80;
	s6 =	sadd.s32 s7, s6  }
0xb: {  	s7 =	ssub.s32 s3, s31;
	s3 =	sadd.s32 s5, s4;
	s4 =	sadd.s32 $0x2200, s6  }
0xc: {  	v0 =	vimm.f32 $0.0e+00;
	v1 =	vimm.f32 $1.000000000e+00;
	s5 =	smax.u32 s7, $0x1;
	s6 =	simm.s32 $0x1;
	s7 =	simm.s32 $0x2800  }
.LBB2_1:
0xd: {  	[tilespmem:s2], [sflag:$0x1] =	stream.linear.gather [hbm4b:s3+s2], $0x2800, $0x38;
	[tilespmem:$0x5000] =	vst v63  }
0xe: {  	_ =	swait.ge [sflag:s6], $0x2800  }
0xf: {  	[sflag:s6] =	ssyncset.done $0x0  }
0x10: {  	s11 =	simm.s32 $0x0;
	[sflag:s6] =	ssyncadd.s32 $0xFFFFD800  }
.LBB2_2:
0x11: {  	p0 =	sne.s32 s11, $0x9FC0  }
.Ltmp0:
0x12: {  	_ = 	snop;
	(pc) =	sbr.rel @p0 .LBB2_2-.Ltmp0, $3  }
0x13: {  	_ =	sdelay $0x1  }
0x14: {  	s12 =	sshra.s32 s11, $0x2  }
0x15: {  	s11 =	sadd.s32 $0x40, s11;
	[tilespmem:s12+$0x2800] =	vst v0  }
0x16: {  	s11 =	simm.s32 $0x1C0  }
.LBB2_4:
0x17: {  	s12 =	sshra.s32 s11, $0x2  }
0x18: {  	v2 =	vld [tilespmem:s12+$0xFFFFFF90];
	_ =	sdelay $0x7  }
0x19: {  	[tilespmem:v2+s7+$0x0] =	vst.idx.add.f32.msk $0xffff, v1  }
0x1a: {  	v2 =	vld [tilespmem:s12+$0xFFFFFFA0];
	_ =	sdelay $0x7  }
0x1b: {  	[tilespmem:v2+s7+$0x0] =	vst.idx.add.f32.msk $0xffff, v1  }
0x1c: {  	v2 =	vld [tilespmem:s12+$0xFFFFFFB0];
	_ =	sdelay $0x7  }
0x1d: {  	[tilespmem:v2+s7+$0x0] =	vst.idx.add.f32.msk $0xffff, v1  }
0x1e: {  	v2 =	vld [tilespmem:s12+$0xFFFFFFC0];
	_ =	sdelay $0x7  }
0x1f: {  	[tilespmem:v2+s7+$0x0] =	vst.idx.add.f32.msk $0xffff, v1  }
0x20: {  	v2 =	vld [tilespmem:s12+$0xFFFFFFD0];
	_ =	sdelay $0x7  }
0x21: {  	[tilespmem:v2+s7+$0x0] =	vst.idx.add.f32.msk $0xffff, v1  }
0x22: {  	v2 =	vld [tilespmem:s12+$0xFFFFFFE0];
	_ =	sdelay $0x7  }
0x23: {  	[tilespmem:v2+s7+$0x0] =	vst.idx.add.f32.msk $0xffff, v1  }
0x24: {  	v2 =	vld [tilespmem:s12+$0xFFFFFFF0];
	_ =	sdelay $0x7  }
0x25: {  	[tilespmem:v2+s7+$0x0] =	vst.idx.add.f32.msk $0xffff, v1  }
0x26: {  	v2 =	vld [tilespmem:s12+$0x0];
	_ =	sdelay $0x2  }
0x27: {  	p0 =	sne.s32 s11, $0x9FC0  }
.Ltmp1:
0x28: {  	_ = 	snop;
	(pc) =	sbr.rel @p0 .LBB2_4-.Ltmp1, $2  }
0x29: {  	_ =	sdelay $0x2  }
0x2a: {  	s11 =	sadd.s32 $0x200, s11;
	[tilespmem:v2+s7+$0x0] =	vst.idx.add.f32.msk $0xffff, v1  }
0x2b: {  	s10 =	sadd.s32 $0x1, s10  }
0x2c: {  	p0 =	sne.s32 s10, s5  }
.Ltmp2:
0x2d: {  	_ = 	snop;
	(pc) =	sbr.rel @p0 .LBB2_1-.Ltmp2, $4  }
0x2e: {  	[hbm4b:s4+s8] =	stream.strided.scatter [tilespmem:s7], [sflag:$0x1], $0x2800, s9, s8, $0x38;
	[tilespmem:$0x5000] =	vst v63  }
0x2f: {  	_ =	swait.ge [sflag:s6], $0x2800  }
0x30: {  	[sflag:s6] =	ssyncset.done $0x0  }
0x31: {  	[sflag:s6] =	ssyncadd.s32 $0xFFFFD800  }
0x32: {  	_ =	sfence.sel $0x180000  }
0x33: {  	[bflag:$0x0] =	sbarrier.arrive $0xFFFF  }
0x34: {  	p0 =	sne.s32 s0, $0x0;
	_ =	strace $0x90000047  }
0x35: {  	s0 =	sadd.s32 @!p0 $0x100000, s1;
	[bflag:$0x2] =	sbarrier.arrive $0xFFFF  }
0x36: {  	[sflag:s0] =	ssyncadd.tile.s32 @!p0 $0x1;
	_ =	shalt  }
.Lfunc_end2:
_tile_overlayer_lowered:
.L_overlay_start_2:
0x37: {  	(tag) =	ssettag $0x2  }
0x38: {  	s0 =	rddreg [dreg:$0x0];
	s2 =	stileid.u32  }
0x39: {  	s1 =	rddreg [dreg:$0x1];
	p0 =	sne.s32 s2, $0x0  }
0x3a: {  	s3 =	rddreg [dreg:$0x2];
	[bflag:$0x3] =	sbarrier.arrive $0xFFFF;
	s2 =	simm.s32 @!p0 $0x1C01  }
0x3b: {  	[timem:s3], [sflag:s2] =	dma.local @!p0 [hbm:s0], s1  }
0x3c: {  	s0 =	simm.s32 @!p0 $0x1  }
0x3d: {  	_ =	swait.ge @!p0 [sflag:s0], s1  }
0x3e: {  	s1 =	ssub.s32 @!p0 $0x0, s1;
	[sflag:s0] =	ssyncset.done @!p0 $0x0  }
0x3f: {  	[sflag:s0] =	ssyncadd.s32 @!p0 s1  }
0x40: {  	[bflag:$0x3] =	sbarrier.arrive $0xFFFF  }
0x41: {  	_ =	shalt  }

</sc_bundles>
